<compile_context>
chip_gen: v7x
topology: tpu7x:2x2x1
jax: 0.10.2.dev20260603
libtpu: 0.0.44.dev20260713+nightly
codegen_flags: <defaults>
</compile_context>

<pallas_src>
import jax
import jax.numpy as jnp
from jax import lax
from jax.experimental import pallas as pl
from jax.experimental.pallas import tpu as pltpu
from jax.experimental.pallas import tpu_sc as plsc

NUM_SEG = 10000
BATCH = 4
N_ROWS = 160000
D = 128
NC = 2
NS = 16
ROWS_PER_TILE = N_ROWS // NS
CHUNK = 80
NCHUNK = ROWS_PER_TILE // CHUNK
NBUF = 4
HALF = 64
SEG_PER_TILE = 624
SEG_TAIL = NUM_SEG - NS * SEG_PER_TILE
ROUNDS = BATCH // NC


def _copy_acc_slice(s, src, dst):
    seg0 = s * SEG_PER_TILE
    pltpu.sync_copy(src.at[pl.ds(seg0, SEG_PER_TILE)],
                    dst.at[pl.ds(seg0, SEG_PER_TILE)])

    @pl.when(s == NS - 1)
    def _():
        t0 = NS * SEG_PER_TILE
        pltpu.sync_copy(src.at[pl.ds(t0, SEG_TAIL)], dst.at[pl.ds(t0, SEG_TAIL)])


def _seg_sum_body(data_hbm, ids_hbm, zeros_hbm, out_hbm,
                  idx_v, rows, sems, acc_sh):
    c = lax.axis_index("c")
    s = lax.axis_index("s")

    def wbase(r):
        b = c * ROUNDS + r
        return b * NS + s

    def start(j, k, base):
        @pl.when(j < NCHUNK)
        def _():
            pltpu.async_copy(
                data_hbm.at[pl.ds(base + j * CHUNK, CHUNK)], rows[k], sems[k])

    def wait(k):
        pltpu.make_async_copy(
            data_hbm.at[pl.ds(0, CHUNK)], rows[k], sems[k]).wait()

    def scat(j, k):
        pltpu.sync_copy(rows[k], acc_sh.at[idx_v.at[j]], add=True)

    def load_ids(w, h):
        nid = HALF if h == 0 else NCHUNK - HALF
        pltpu.sync_copy(ids_hbm.at[w, pl.ds(h * HALF, nid)],
                        idx_v.at[pl.ds(0, nid)])

    def prologue(r):
        base = wbase(r) * ROWS_PER_TILE
        for k in range(NBUF):
            start(k, k, base)
        load_ids(wbase(r), 0)

    prologue(0)
    _copy_acc_slice(s, zeros_hbm, acc_sh)
    plsc.subcore_barrier()

    for r in range(ROUNDS):
        b = c * ROUNDS + r
        w = wbase(r)
        base = w * ROWS_PER_TILE

        for h, nquad in ((0, HALF // NBUF), (1, (NCHUNK - HALF - 1) // NBUF)):
            h0 = h * HALF
            if h > 0:
                load_ids(w, h)

            def quad_body(g, carry):
                j = h0 + NBUF * g
                for k in range(NBUF):
                    wait(k)
                    scat(j + k - h0, k)
                    start(j + k + NBUF, k, base)
                return carry

            lax.fori_loop(0, nquad, quad_body, 0)

        wait(0)
        scat(NCHUNK - 1 - HALF, 0)
        plsc.subcore_barrier()

        if r + 1 < ROUNDS:
            prologue(r + 1)
        _copy_acc_slice(s, acc_sh, out_hbm.at[pl.ds(b * NUM_SEG, NUM_SEG)])
        if r + 1 < ROUNDS:
            _copy_acc_slice(s, zeros_hbm, acc_sh)
            plsc.subcore_barrier()


def kernel(data, segment_ids):
    data2 = data.reshape(BATCH * N_ROWS, D)
    ids3 = segment_ids.astype(jnp.int32).reshape(BATCH * NS, NCHUNK, CHUNK)
    zeros = jnp.zeros((NUM_SEG, D), jnp.float32)

    f = pl.kernel(
        _seg_sum_body,
        out_type=jax.ShapeDtypeStruct((BATCH * NUM_SEG, D), jnp.float32),
        mesh=plsc.VectorSubcoreMesh(core_axis_name="c", subcore_axis_name="s"),
        scratch_types=[
            pltpu.VMEM((HALF, CHUNK), jnp.int32),
            [pltpu.VMEM((CHUNK, D), jnp.float32)] * NBUF,
            [pltpu.SemaphoreType.DMA] * NBUF,
            pltpu.VMEM_SHARED((NUM_SEG, D), jnp.float32),
        ],
    )
    out = f(data2, ids3, zeros)
    return out.reshape(BATCH, NUM_SEG, D)

# --- scband reference (transcript-rebuilt; emitter-appended) ---
"""Pipeline reference for scband-segment-aggregation-23691039605162 (READ-ONLY COPY).

The authoritative reference and input builder live on the scoring server;
editing this copy changes nothing except your own understanding.
"""

import jax, jax.numpy as jnp
import numpy as np

NUM_SEGMENTS = 10000

def setup_inputs(seed: int = 0) -> dict:
    key = jax.random.key(seed)
    k1, k2 = jax.random.split(key)
    data = jax.random.normal(k1, (4, 160000, 128), dtype=jnp.float32)
    segment_ids = jnp.sort(jax.random.randint(k2, (4, 160000), 0, NUM_SEGMENTS, dtype=jnp.int64), axis=-1)
    return {"data": data, "segment_ids": segment_ids}

def reference(data, segment_ids):
    # Faithful to tf.math.segment_sum applied per leading-dim element:
    # output[i] = segment_sum(data[i], segment_ids[i]).
    # segment_ids are sorted and densely cover [0, NUM_SEGMENTS), so TF's
    # (max_id + 1)-row output equals a fixed NUM_SEGMENTS-row output.
    outs = []
    for i in range(data.shape[0]):
        outs.append(jax.ops.segment_sum(data[i], segment_ids[i], num_segments=NUM_SEGMENTS))
    return jnp.stack(outs, axis=0)

if __name__ == "__main__":
    import jax
    _d = setup_inputs()
    print(jax.jit(kernel)(*tuple(_d.values())))

</pallas_src>

<mosaic_0001>
#map = affine_map<(d0, d1) -> (0, 0)>
#map1 = affine_map<(d0, d1) -> (0, 0, 0)>
module attributes {stable_mosaic.version = 14 : i64} {
  func.func @_seg_sum_body(%arg0: i32, %arg1: i32, %arg2: memref<640000x128xf32, #tpu.memory_space<hbm>>, %arg3: memref<64x125x80xi32, #tpu.memory_space<hbm>>, %arg4: memref<10000x128xf32, #tpu.memory_space<hbm>>, %arg5: memref<40000x128xf32, #tpu.memory_space<hbm>>, %arg6: memref<64x80xi32, #tpu.memory_space<vmem>>, %arg7: memref<80x128xf32, #tpu.memory_space<vmem>>, %arg8: memref<80x128xf32, #tpu.memory_space<vmem>>, %arg9: memref<80x128xf32, #tpu.memory_space<vmem>>, %arg10: memref<80x128xf32, #tpu.memory_space<vmem>>, %arg11: memref<!tpu.dma_semaphore, #tpu.memory_space<semaphore_mem>>, %arg12: memref<!tpu.dma_semaphore, #tpu.memory_space<semaphore_mem>>, %arg13: memref<!tpu.dma_semaphore, #tpu.memory_space<semaphore_mem>>, %arg14: memref<!tpu.dma_semaphore, #tpu.memory_space<semaphore_mem>>, %arg15: memref<10000x128xf32, #tpu.memory_space<vmem_shared>>) attributes {dimension_semantics = [#tpu.dimension_semantics<core_parallel>, #tpu.dimension_semantics<subcore_parallel>], iteration_bounds = array<i64: 2, 16>, scalar_prefetch = 0 : i64, scratch_operands = 10 : i64, tpu.core_type = #tpu.core_type<sc_vector_subcore>, window_params = [{transform_indices = #map}, {transform_indices = #map1}, {transform_indices = #map}, {transform_indices = #map}]} {
    %mul3A = arith.constant 2 : i32
    %mul3A_0 = arith.muli %arg0, %mul3A : i32
    %add3A = arith.constant 0 : i32
    %add3A_1 = arith.addi %mul3A_0, %add3A : i32
    %mul3A_2 = arith.constant 16 : i32
    %mul3A_3 = arith.muli %add3A_1, %mul3A_2 : i32
    %add3A_4 = arith.addi %mul3A_3, %arg1 : i32
    %mul3A_5 = arith.constant 10000 : i32
    %mul3A_6 = arith.muli %add3A_4, %mul3A_5 : i32
    %add3A_7 = arith.constant 0 : i32
    %add3A_8 = arith.addi %mul3A_6, %add3A_7 : i32
    %dma_start3A = arith.constant 0 : i32
    %dma_start3A_9 = tpu.memref_slice %arg2[%add3A_8, %dma_start3A] : memref<640000x128xf32, #tpu.memory_space<hbm>> -> memref<80x128xf32, #tpu.memory_space<hbm>>
    %dma_start3A_10 = arith.constant 0 : i32
    %dma_start3A_11 = tpu.memref_slice %arg2[%add3A_8, %dma_start3A_10] : memref<640000x128xf32, #tpu.memory_space<hbm>> -> memref<80x128xf32, #tpu.memory_space<hbm>>
    tpu.enqueue_dma source(%dma_start3A_11 : memref<80x128xf32, #tpu.memory_space<hbm>>) target(%arg7 : memref<80x128xf32, #tpu.memory_space<vmem>>) target_semaphore(%arg11 : memref<!tpu.dma_semaphore, #tpu.memory_space<semaphore_mem>>)
    %add3A_12 = arith.constant 80 : i32
    %add3A_13 = arith.addi %mul3A_6, %add3A_12 : i32
    %dma_start3A_14 = arith.constant 0 : i32
    %dma_start3A_15 = tpu.memref_slice %arg2[%add3A_13, %dma_start3A_14] : memref<640000x128xf32, #tpu.memory_space<hbm>> -> memref<80x128xf32, #tpu.memory_space<hbm>>
    %dma_start3A_16 = arith.constant 0 : i32
    %dma_start3A_17 = tpu.memref_slice %arg2[%add3A_13, %dma_start3A_16] : memref<640000x128xf32, #tpu.memory_space<hbm>> -> memref<80x128xf32, #tpu.memory_space<hbm>>
    tpu.enqueue_dma source(%dma_start3A_17 : memref<80x128xf32, #tpu.memory_space<hbm>>) target(%arg8 : memref<80x128xf32, #tpu.memory_space<vmem>>) target_semaphore(%arg12 : memref<!tpu.dma_semaphore, #tpu.memory_space<semaphore_mem>>)
    %add3A_18 = arith.constant 160 : i32
    %add3A_19 = arith.addi %mul3A_6, %add3A_18 : i32
    %dma_start3A_20 = arith.constant 0 : i32
    %dma_start3A_21 = tpu.memref_slice %arg2[%add3A_19, %dma_start3A_20] : memref<640000x128xf32, #tpu.memory_space<hbm>> -> memref<80x128xf32, #tpu.memory_space<hbm>>
    %dma_start3A_22 = arith.constant 0 : i32
    %dma_start3A_23 = tpu.memref_slice %arg2[%add3A_19, %dma_start3A_22] : memref<640000x128xf32, #tpu.memory_space<hbm>> -> memref<80x128xf32, #tpu.memory_space<hbm>>
    tpu.enqueue_dma source(%dma_start3A_23 : memref<80x128xf32, #tpu.memory_space<hbm>>) target(%arg9 : memref<80x128xf32, #tpu.memory_space<vmem>>) target_semaphore(%arg13 : memref<!tpu.dma_semaphore, #tpu.memory_space<semaphore_mem>>)
    %add3A_24 = arith.constant 240 : i32
    %add3A_25 = arith.addi %mul3A_6, %add3A_24 : i32
    %dma_start3A_26 = arith.constant 0 : i32
    %dma_start3A_27 = tpu.memref_slice %arg2[%add3A_25, %dma_start3A_26] : memref<640000x128xf32, #tpu.memory_space<hbm>> -> memref<80x128xf32, #tpu.memory_space<hbm>>
    %dma_start3A_28 = arith.constant 0 : i32
    %dma_start3A_29 = tpu.memref_slice %arg2[%add3A_25, %dma_start3A_28] : memref<640000x128xf32, #tpu.memory_space<hbm>> -> memref<80x128xf32, #tpu.memory_space<hbm>>
    tpu.enqueue_dma source(%dma_start3A_29 : memref<80x128xf32, #tpu.memory_space<hbm>>) target(%arg10 : memref<80x128xf32, #tpu.memory_space<vmem>>) target_semaphore(%arg14 : memref<!tpu.dma_semaphore, #tpu.memory_space<semaphore_mem>>)
    %mul3A_30 = arith.constant 2 : i32
    %mul3A_31 = arith.muli %arg0, %mul3A_30 : i32
    %add3A_32 = arith.constant 0 : i32
    %add3A_33 = arith.addi %mul3A_31, %add3A_32 : i32
    %mul3A_34 = arith.constant 16 : i32
    %mul3A_35 = arith.muli %add3A_33, %mul3A_34 : i32
    %add3A_36 = arith.addi %mul3A_35, %arg1 : i32
    "tpu.region"() ({
      %run_scoped3A_170 = tpu.sem_alloc : memref<!tpu.dma_semaphore, #tpu.memory_space<semaphore_mem>>
      %dma_start3A_171 = arith.constant 0 : i32
      %dma_start3A_172 = arith.constant 0 : i32
      %dma_start3A_173 = tpu.memref_slice %arg6[%dma_start3A_171, %dma_start3A_172] : memref<64x80xi32, #tpu.memory_space<vmem>> -> memref<64x80xi32, #tpu.memory_space<vmem>>
      %dma_start3A_174 = arith.constant 0 : i32
      %dma_start3A_175 = arith.constant 0 : i32
      %dma_start3A_176 = tpu.memref_slice %arg3[%add3A_36, %dma_start3A_174, %dma_start3A_175] : memref<64x125x80xi32, #tpu.memory_space<hbm>> -> memref<1x64x80xi32, #tpu.memory_space<hbm>>
      %dma_start3A_177 = tpu.memref_squeeze %dma_start3A_176 : memref<1x64x80xi32, #tpu.memory_space<hbm>> -> memref<64x80xi32, #tpu.memory_space<hbm>>
      %dma_start3A_178 = arith.constant 0 : i32
      %dma_start3A_179 = arith.constant 0 : i32
      %dma_start3A_180 = tpu.memref_slice %arg6[%dma_start3A_178, %dma_start3A_179] : memref<64x80xi32, #tpu.memory_space<vmem>> -> memref<64x80xi32, #tpu.memory_space<vmem>>
      %dma_start3A_181 = arith.constant 0 : i32
      %dma_start3A_182 = arith.constant 0 : i32
      %dma_start3A_183 = tpu.memref_slice %arg3[%add3A_36, %dma_start3A_181, %dma_start3A_182] : memref<64x125x80xi32, #tpu.memory_space<hbm>> -> memref<1x64x80xi32, #tpu.memory_space<hbm>>
      %dma_start3A_184 = tpu.memref_squeeze %dma_start3A_183 : memref<1x64x80xi32, #tpu.memory_space<hbm>> -> memref<64x80xi32, #tpu.memory_space<hbm>>
      tpu.enqueue_dma source(%dma_start3A_184 : memref<64x80xi32, #tpu.memory_space<hbm>>) target(%dma_start3A_180 : memref<64x80xi32, #tpu.memory_space<vmem>>) target_semaphore(%run_scoped3A_170 : memref<!tpu.dma_semaphore, #tpu.memory_space<semaphore_mem>>)
      %dma_wait3A_185 = arith.constant 0 : i32
      %dma_wait3A_186 = arith.constant 0 : i32
      %dma_wait3A_187 = tpu.memref_slice %arg6[%dma_wait3A_185, %dma_wait3A_186] : memref<64x80xi32, #tpu.memory_space<vmem>> -> memref<64x80xi32, #tpu.memory_space<vmem>>
      %dma_wait3A_188 = arith.constant 0 : i32
      %dma_wait3A_189 = arith.constant 0 : i32
      %dma_wait3A_190 = tpu.memref_slice %arg3[%add3A_36, %dma_wait3A_188, %dma_wait3A_189] : memref<64x125x80xi32, #tpu.memory_space<hbm>> -> memref<1x64x80xi32, #tpu.memory_space<hbm>>
      %dma_wait3A_191 = tpu.memref_squeeze %dma_wait3A_190 : memref<1x64x80xi32, #tpu.memory_space<hbm>> -> memref<64x80xi32, #tpu.memory_space<hbm>>
      %dma_wait3A_192 = arith.constant 0 : i32
      %dma_wait3A_193 = arith.constant 0 : i32
      %dma_wait3A_194 = tpu.memref_slice %arg6[%dma_wait3A_192, %dma_wait3A_193] : memref<64x80xi32, #tpu.memory_space<vmem>> -> memref<64x80xi32, #tpu.memory_space<vmem>>
      %dma_wait3A_195 = arith.constant 0 : i32
      %dma_wait3A_196 = arith.constant 0 : i32
      %dma_wait3A_197 = tpu.memref_slice %arg3[%add3A_36, %dma_wait3A_195, %dma_wait3A_196] : memref<64x125x80xi32, #tpu.memory_space<hbm>> -> memref<1x64x80xi32, #tpu.memory_space<hbm>>
      %dma_wait3A_198 = tpu.memref_squeeze %dma_wait3A_197 : memref<1x64x80xi32, #tpu.memory_space<hbm>> -> memref<64x80xi32, #tpu.memory_space<hbm>>
      tpu.wait_dma2 semaphore(%run_scoped3A_170 : memref<!tpu.dma_semaphore, #tpu.memory_space<semaphore_mem>>) src(%dma_wait3A_198 : memref<64x80xi32, #tpu.memory_space<hbm>>) dst(%dma_wait3A_194 : memref<64x80xi32, #tpu.memory_space<vmem>>)
      tpu.yield
    }) : () -> ()
    %mul3A_37 = arith.constant 624 : i32
    %mul3A_38 = arith.muli %arg1, %mul3A_37 : i32
    "tpu.region"() ({
      %run_scoped3A_170 = tpu.sem_alloc : memref<!tpu.dma_semaphore, #tpu.memory_space<semaphore_mem>>
      %dma_start3A_171 = arith.constant 0 : i32
      %dma_start3A_172 = tpu.memref_slice %arg15[%mul3A_38, %dma_start3A_171] : memref<10000x128xf32, #tpu.memory_space<vmem_shared>> -> memref<624x128xf32, #tpu.memory_space<vmem_shared>>
      %dma_start3A_173 = arith.constant 0 : i32
      %dma_start3A_174 = tpu.memref_slice %arg4[%mul3A_38, %dma_start3A_173] : memref<10000x128xf32, #tpu.memory_space<hbm>> -> memref<624x128xf32, #tpu.memory_space<hbm>>
      tpu.enqueue_dma source(%dma_start3A_174 : memref<624x128xf32, #tpu.memory_space<hbm>>) target(%dma_start3A_172 : memref<624x128xf32, #tpu.memory_space<vmem_shared>>) target_semaphore(%run_scoped3A_170 : memref<!tpu.dma_semaphore, #tpu.memory_space<semaphore_mem>>)
      %dma_wait3A_175 = arith.constant 0 : i32
      %dma_wait3A_176 = tpu.memref_slice %arg15[%mul3A_38, %dma_wait3A_175] : memref<10000x128xf32, #tpu.memory_space<vmem_shared>> -> memref<624x128xf32, #tpu.memory_space<vmem_shared>>
      %dma_wait3A_177 = arith.constant 0 : i32
      %dma_wait3A_178 = tpu.memref_slice %arg4[%mul3A_38, %dma_wait3A_177] : memref<10000x128xf32, #tpu.memory_space<hbm>> -> memref<624x128xf32, #tpu.memory_space<hbm>>
      tpu.wait_dma2 semaphore(%run_scoped3A_170 : memref<!tpu.dma_semaphore, #tpu.memory_space<semaphore_mem>>) src(%dma_wait3A_178 : memref<624x128xf32, #tpu.memory_space<hbm>>) dst(%dma_wait3A_176 : memref<624x128xf32, #tpu.memory_space<vmem_shared>>)
      tpu.yield
    }) : () -> ()
    %eq3A = arith.constant 15 : i32
    %eq3A_39 = arith.cmpi eq, %arg1, %eq3A : i32
    %convert_element_type3A = arith.extui %eq3A_39 : i1 to i32
    %cond3A = arith.constant 0 : i32
    %cond3A_40 = arith.cmpi ne, %convert_element_type3A, %cond3A : i32
    scf.if %cond3A_40 {
      "tpu.region"() ({
        %run_scoped3A_170 = tpu.sem_alloc : memref<!tpu.dma_semaphore, #tpu.memory_space<semaphore_mem>>
        %dma_start3A_171 = arith.constant 9984 : i32
        %dma_start3A_172 = arith.constant 0 : i32
        %dma_start3A_173 = tpu.memref_slice %arg15[%dma_start3A_171, %dma_start3A_172] : memref<10000x128xf32, #tpu.memory_space<vmem_shared>> -> memref<16x128xf32, #tpu.memory_space<vmem_shared>>
        %dma_start3A_174 = arith.constant 9984 : i32
        %dma_start3A_175 = arith.constant 0 : i32
        %dma_start3A_176 = tpu.memref_slice %arg4[%dma_start3A_174, %dma_start3A_175] : memref<10000x128xf32, #tpu.memory_space<hbm>> -> memref<16x128xf32, #tpu.memory_space<hbm>>
        tpu.enqueue_dma source(%dma_start3A_176 : memref<16x128xf32, #tpu.memory_space<hbm>>) target(%dma_start3A_173 : memref<16x128xf32, #tpu.memory_space<vmem_shared>>) target_semaphore(%run_scoped3A_170 : memref<!tpu.dma_semaphore, #tpu.memory_space<semaphore_mem>>)
        %dma_wait3A_177 = arith.constant 9984 : i32
        %dma_wait3A_178 = arith.constant 0 : i32
        %dma_wait3A_179 = tpu.memref_slice %arg15[%dma_wait3A_177, %dma_wait3A_178] : memref<10000x128xf32, #tpu.memory_space<vmem_shared>> -> memref<16x128xf32, #tpu.memory_space<vmem_shared>>
        %dma_wait3A_180 = arith.constant 9984 : i32
        %dma_wait3A_181 = arith.constant 0 : i32
        %dma_wait3A_182 = tpu.memref_slice %arg4[%dma_wait3A_180, %dma_wait3A_181] : memref<10000x128xf32, #tpu.memory_space<hbm>> -> memref<16x128xf32, #tpu.memory_space<hbm>>
        tpu.wait_dma2 semaphore(%run_scoped3A_170 : memref<!tpu.dma_semaphore, #tpu.memory_space<semaphore_mem>>) src(%dma_wait3A_182 : memref<16x128xf32, #tpu.memory_space<hbm>>) dst(%dma_wait3A_179 : memref<16x128xf32, #tpu.memory_space<vmem_shared>>)
        tpu.yield
      }) : () -> ()
    } else {
    }
    %barrier3A = arith.constant 0 : index
    tpu.barrier barrier_id(%barrier3A)
    %mul3A_41 = arith.constant 2 : i32
    %mul3A_42 = arith.muli %arg0, %mul3A_41 : i32
    %add3A_43 = arith.constant 0 : i32
    %add3A_44 = arith.addi %mul3A_42, %add3A_43 : i32
    %mul3A_45 = arith.constant 2 : i32
    %mul3A_46 = arith.muli %arg0, %mul3A_45 : i32
    %add3A_47 = arith.constant 0 : i32
    %add3A_48 = arith.addi %mul3A_46, %add3A_47 : i32
    %mul3A_49 = arith.constant 16 : i32
    %mul3A_50 = arith.muli %add3A_48, %mul3A_49 : i32
    %add3A_51 = arith.addi %mul3A_50, %arg1 : i32
    %mul3A_52 = arith.constant 10000 : i32
    %mul3A_53 = arith.muli %add3A_51, %mul3A_52 : i32
    %scan3A = arith.constant 0 : i32
    %scan3A_54 = arith.constant 0 : i32
    %scan3A_55 = arith.constant 16 : i32
    %scan3A_56 = arith.addi %scan3A_54, %scan3A_55 : i32
    %scan3A_57 = arith.constant 1 : i32
    scf.for %scan3A_170 = %scan3A_54 to %scan3A_56 step %scan3A_57  : i32 {
      %mul3A_171 = arith.constant 4 : i32
      %mul3A_172 = arith.muli %mul3A_171, %scan3A_170 : i32
      %add3A_173 = arith.constant 0 : i32
      %add3A_174 = arith.addi %add3A_173, %mul3A_172 : i32
      %dma_wait3A_175 = arith.constant 0 : i32
      %dma_wait3A_176 = arith.constant 0 : i32
      %dma_wait3A_177 = tpu.memref_slice %arg2[%dma_wait3A_175, %dma_wait3A_176] : memref<640000x128xf32, #tpu.memory_space<hbm>> -> memref<80x128xf32, #tpu.memory_space<hbm>>
      %dma_wait3A_178 = arith.constant 0 : i32
      %dma_wait3A_179 = arith.constant 0 : i32
      %dma_wait3A_180 = tpu.memref_slice %arg2[%dma_wait3A_178, %dma_wait3A_179] : memref<640000x128xf32, #tpu.memory_space<hbm>> -> memref<80x128xf32, #tpu.memory_space<hbm>>
      tpu.wait_dma2 semaphore(%arg11 : memref<!tpu.dma_semaphore, #tpu.memory_space<semaphore_mem>>) src(%dma_wait3A_180 : memref<80x128xf32, #tpu.memory_space<hbm>>) dst(%arg7 : memref<80x128xf32, #tpu.memory_space<vmem>>)
      %add3A_181 = arith.constant 0 : i32
      %add3A_182 = arith.addi %add3A_174, %add3A_181 : i32
      %sub3A = arith.constant 0 : i32
      %sub3A_183 = arith.subi %add3A_182, %sub3A : i32
      "tpu.region"() ({
        %run_scoped3A_249 = tpu.sem_alloc : memref<!tpu.dma_semaphore, #tpu.memory_space<semaphore_mem>>
        %dma_start3A_250 = arith.constant 0 : i32
        %dma_start3A_251 = tpu.memref_slice %arg6[%sub3A_183, %dma_start3A_250] : memref<64x80xi32, #tpu.memory_space<vmem>> -> memref<1x80xi32, #tpu.memory_space<vmem>>
        %dma_start3A_252 = tpu.memref_squeeze %dma_start3A_251 : memref<1x80xi32, #tpu.memory_space<vmem>> -> memref<80xi32, #tpu.memory_space<vmem>>
        %dma_start3A_253 = arith.constant 0 : i32
        %dma_start3A_254 = arith.constant 0 : i32
        %dma_start3A_255 = tpu.memref_slice %arg15[%dma_start3A_253, %dma_start3A_254] : memref<10000x128xf32, #tpu.memory_space<vmem_shared>> -> memref<10000x128xf32, #tpu.memory_space<vmem_shared>>
        tpu.enqueue_indirect_dma source(%arg7 : memref<80x128xf32, #tpu.memory_space<vmem>>) target(%dma_start3A_255 : memref<10000x128xf32, #tpu.memory_space<vmem_shared>>) offsets(%dma_start3A_252 : memref<80xi32, #tpu.memory_space<vmem>>) semaphore(%run_scoped3A_249 : memref<!tpu.dma_semaphore, #tpu.memory_space<semaphore_mem>>) {add = true}
        %dma_wait3A_256 = arith.constant 0 : i32
        %dma_wait3A_257 = tpu.memref_slice %arg6[%sub3A_183, %dma_wait3A_256] : memref<64x80xi32, #tpu.memory_space<vmem>> -> memref<1x80xi32, #tpu.memory_space<vmem>>
        %dma_wait3A_258 = tpu.memref_squeeze %dma_wait3A_257 : memref<1x80xi32, #tpu.memory_space<vmem>> -> memref<80xi32, #tpu.memory_space<vmem>>
        %dma_wait3A_259 = arith.constant 0 : i32
        %dma_wait3A_260 = arith.constant 0 : i32
        %dma_wait3A_261 = tpu.memref_slice %arg15[%dma_wait3A_259, %dma_wait3A_260] : memref<10000x128xf32, #tpu.memory_space<vmem_shared>> -> memref<10000x128xf32, #tpu.memory_space<vmem_shared>>
        tpu.wait_indirect_dma semaphore(%run_scoped3A_249 : memref<!tpu.dma_semaphore, #tpu.memory_space<semaphore_mem>>) src(%arg7 : memref<80x128xf32, #tpu.memory_space<vmem>>) dst(%dma_wait3A_261 : memref<10000x128xf32, #tpu.memory_space<vmem_shared>>)
        tpu.yield
      }) : () -> ()
      %add3A_184 = arith.constant 0 : i32
      %add3A_185 = arith.addi %add3A_174, %add3A_184 : i32
      %add3A_186 = arith.constant 4 : i32
      %add3A_187 = arith.addi %add3A_185, %add3A_186 : i32
      %lt3A = arith.constant 125 : i32
      %lt3A_188 = arith.cmpi slt, %add3A_187, %lt3A : i32
      %convert_element_type3A_189 = arith.extui %lt3A_188 : i1 to i32
      %cond3A_190 = arith.constant 0 : i32
      %cond3A_191 = arith.cmpi ne, %convert_element_type3A_189, %cond3A_190 : i32
      scf.if %cond3A_191 {
        %mul3A_249 = arith.constant 80 : i32
        %mul3A_250 = arith.muli %add3A_187, %mul3A_249 : i32
        %add3A_251 = arith.addi %mul3A_53, %mul3A_250 : i32
        %dma_start3A_252 = arith.constant 0 : i32
        %dma_start3A_253 = tpu.memref_slice %arg2[%add3A_251, %dma_start3A_252] : memref<640000x128xf32, #tpu.memory_space<hbm>> -> memref<80x128xf32, #tpu.memory_space<hbm>>
        %dma_start3A_254 = arith.constant 0 : i32
        %dma_start3A_255 = tpu.memref_slice %arg2[%add3A_251, %dma_start3A_254] : memref<640000x128xf32, #tpu.memory_space<hbm>> -> memref<80x128xf32, #tpu.memory_space<hbm>>
        tpu.enqueue_dma source(%dma_start3A_255 : memref<80x128xf32, #tpu.memory_space<hbm>>) target(%arg7 : memref<80x128xf32, #tpu.memory_space<vmem>>) target_semaphore(%arg11 : memref<!tpu.dma_semaphore, #tpu.memory_space<semaphore_mem>>)
      } else {
      }
      %dma_wait3A_192 = arith.constant 0 : i32
      %dma_wait3A_193 = arith.constant 0 : i32
      %dma_wait3A_194 = tpu.memref_slice %arg2[%dma_wait3A_192, %dma_wait3A_193] : memref<640000x128xf32, #tpu.memory_space<hbm>> -> memref<80x128xf32, #tpu.memory_space<hbm>>
      %dma_wait3A_195 = arith.constant 0 : i32
      %dma_wait3A_196 = arith.constant 0 : i32
      %dma_wait3A_197 = tpu.memref_slice %arg2[%dma_wait3A_195, %dma_wait3A_196] : memref<640000x128xf32, #tpu.memory_space<hbm>> -> memref<80x128xf32, #tpu.memory_space<hbm>>
      tpu.wait_dma2 semaphore(%arg12 : memref<!tpu.dma_semaphore, #tpu.memory_space<semaphore_mem>>) src(%dma_wait3A_197 : memref<80x128xf32, #tpu.memory_space<hbm>>) dst(%arg8 : memref<80x128xf32, #tpu.memory_space<vmem>>)
      %add3A_198 = arith.constant 1 : i32
      %add3A_199 = arith.addi %add3A_174, %add3A_198 : i32
      %sub3A_200 = arith.constant 0 : i32
      %sub3A_201 = arith.subi %add3A_199, %sub3A_200 : i32
      "tpu.region"() ({
        %run_scoped3A_249 = tpu.sem_alloc : memref<!tpu.dma_semaphore, #tpu.memory_space<semaphore_mem>>
        %dma_start3A_250 = arith.constant 0 : i32
        %dma_start3A_251 = tpu.memref_slice %arg6[%sub3A_201, %dma_start3A_250] : memref<64x80xi32, #tpu.memory_space<vmem>> -> memref<1x80xi32, #tpu.memory_space<vmem>>
        %dma_start3A_252 = tpu.memref_squeeze %dma_start3A_251 : memref<1x80xi32, #tpu.memory_space<vmem>> -> memref<80xi32, #tpu.memory_space<vmem>>
        %dma_start3A_253 = arith.constant 0 : i32
        %dma_start3A_254 = arith.constant 0 : i32
        %dma_start3A_255 = tpu.memref_slice %arg15[%dma_start3A_253, %dma_start3A_254] : memref<10000x128xf32, #tpu.memory_space<vmem_shared>> -> memref<10000x128xf32, #tpu.memory_space<vmem_shared>>
        tpu.enqueue_indirect_dma source(%arg8 : memref<80x128xf32, #tpu.memory_space<vmem>>) target(%dma_start3A_255 : memref<10000x128xf32, #tpu.memory_space<vmem_shared>>) offsets(%dma_start3A_252 : memref<80xi32, #tpu.memory_space<vmem>>) semaphore(%run_scoped3A_249 : memref<!tpu.dma_semaphore, #tpu.memory_space<semaphore_mem>>) {add = true}
        %dma_wait3A_256 = arith.constant 0 : i32
        %dma_wait3A_257 = tpu.memref_slice %arg6[%sub3A_201, %dma_wait3A_256] : memref<64x80xi32, #tpu.memory_space<vmem>> -> memref<1x80xi32, #tpu.memory_space<vmem>>
        %dma_wait3A_258 = tpu.memref_squeeze %dma_wait3A_257 : memref<1x80xi32, #tpu.memory_space<vmem>> -> memref<80xi32, #tpu.memory_space<vmem>>
        %dma_wait3A_259 = arith.constant 0 : i32
        %dma_wait3A_260 = arith.constant 0 : i32
        %dma_wait3A_261 = tpu.memref_slice %arg15[%dma_wait3A_259, %dma_wait3A_260] : memref<10000x128xf32, #tpu.memory_space<vmem_shared>> -> memref<10000x128xf32, #tpu.memory_space<vmem_shared>>
        tpu.wait_indirect_dma semaphore(%run_scoped3A_249 : memref<!tpu.dma_semaphore, #tpu.memory_space<semaphore_mem>>) src(%arg8 : memref<80x128xf32, #tpu.memory_space<vmem>>) dst(%dma_wait3A_261 : memref<10000x128xf32, #tpu.memory_space<vmem_shared>>)
        tpu.yield
      }) : () -> ()
      %add3A_202 = arith.constant 1 : i32
      %add3A_203 = arith.addi %add3A_174, %add3A_202 : i32
      %add3A_204 = arith.constant 4 : i32
      %add3A_205 = arith.addi %add3A_203, %add3A_204 : i32
      %lt3A_206 = arith.constant 125 : i32
      %lt3A_207 = arith.cmpi slt, %add3A_205, %lt3A_206 : i32
      %convert_element_type3A_208 = arith.extui %lt3A_207 : i1 to i32
      %cond3A_209 = arith.constant 0 : i32
      %cond3A_210 = arith.cmpi ne, %convert_element_type3A_208, %cond3A_209 : i32
      scf.if %cond3A_210 {
        %mul3A_249 = arith.constant 80 : i32
        %mul3A_250 = arith.muli %add3A_205, %mul3A_249 : i32
        %add3A_251 = arith.addi %mul3A_53, %mul3A_250 : i32
        %dma_start3A_252 = arith.constant 0 : i32
        %dma_start3A_253 = tpu.memref_slice %arg2[%add3A_251, %dma_start3A_252] : memref<640000x128xf32, #tpu.memory_space<hbm>> -> memref<80x128xf32, #tpu.memory_space<hbm>>
        %dma_start3A_254 = arith.constant 0 : i32
        %dma_start3A_255 = tpu.memref_slice %arg2[%add3A_251, %dma_start3A_254] : memref<640000x128xf32, #tpu.memory_space<hbm>> -> memref<80x128xf32, #tpu.memory_space<hbm>>
        tpu.enqueue_dma source(%dma_start3A_255 : memref<80x128xf32, #tpu.memory_space<hbm>>) target(%arg8 : memref<80x128xf32, #tpu.memory_space<vmem>>) target_semaphore(%arg12 : memref<!tpu.dma_semaphore, #tpu.memory_space<semaphore_mem>>)
      } else {
      }
      %dma_wait3A_211 = arith.constant 0 : i32
      %dma_wait3A_212 = arith.constant 0 : i32
      %dma_wait3A_213 = tpu.memref_slice %arg2[%dma_wait3A_211, %dma_wait3A_212] : memref<640000x128xf32, #tpu.memory_space<hbm>> -> memref<80x128xf32, #tpu.memory_space<hbm>>
      %dma_wait3A_214 = arith.constant 0 : i32
      %dma_wait3A_215 = arith.constant 0 : i32
      %dma_wait3A_216 = tpu.memref_slice %arg2[%dma_wait3A_214, %dma_wait3A_215] : memref<640000x128xf32, #tpu.memory_space<hbm>> -> memref<80x128xf32, #tpu.memory_space<hbm>>
      tpu.wait_dma2 semaphore(%arg13 : memref<!tpu.dma_semaphore, #tpu.memory_space<semaphore_mem>>) src(%dma_wait3A_216 : memref<80x128xf32, #tpu.memory_space<hbm>>) dst(%arg9 : memref<80x128xf32, #tpu.memory_space<vmem>>)
      %add3A_217 = arith.constant 2 : i32
      %add3A_218 = arith.addi %add3A_174, %add3A_217 : i32
      %sub3A_219 = arith.constant 0 : i32
      %sub3A_220 = arith.subi %add3A_218, %sub3A_219 : i32
      "tpu.region"() ({
        %run_scoped3A_249 = tpu.sem_alloc : memref<!tpu.dma_semaphore, #tpu.memory_space<semaphore_mem>>
        %dma_start3A_250 = arith.constant 0 : i32
        %dma_start3A_251 = tpu.memref_slice %arg6[%sub3A_220, %dma_start3A_250] : memref<64x80xi32, #tpu.memory_space<vmem>> -> memref<1x80xi32, #tpu.memory_space<vmem>>
        %dma_start3A_252 = tpu.memref_squeeze %dma_start3A_251 : memref<1x80xi32, #tpu.memory_space<vmem>> -> memref<80xi32, #tpu.memory_space<vmem>>
        %dma_start3A_253 = arith.constant 0 : i32
        %dma_start3A_254 = arith.constant 0 : i32
        %dma_start3A_255 = tpu.memref_slice %arg15[%dma_start3A_253, %dma_start3A_254] : memref<10000x128xf32, #tpu.memory_space<vmem_shared>> -> memref<10000x128xf32, #tpu.memory_space<vmem_shared>>
        tpu.enqueue_indirect_dma source(%arg9 : memref<80x128xf32, #tpu.memory_space<vmem>>) target(%dma_start3A_255 : memref<10000x128xf32, #tpu.memory_space<vmem_shared>>) offsets(%dma_start3A_252 : memref<80xi32, #tpu.memory_space<vmem>>) semaphore(%run_scoped3A_249 : memref<!tpu.dma_semaphore, #tpu.memory_space<semaphore_mem>>) {add = true}
        %dma_wait3A_256 = arith.constant 0 : i32
        %dma_wait3A_257 = tpu.memref_slice %arg6[%sub3A_220, %dma_wait3A_256] : memref<64x80xi32, #tpu.memory_space<vmem>> -> memref<1x80xi32, #tpu.memory_space<vmem>>
        %dma_wait3A_258 = tpu.memref_squeeze %dma_wait3A_257 : memref<1x80xi32, #tpu.memory_space<vmem>> -> memref<80xi32, #tpu.memory_space<vmem>>
        %dma_wait3A_259 = arith.constant 0 : i32
        %dma_wait3A_260 = arith.constant 0 : i32
        %dma_wait3A_261 = tpu.memref_slice %arg15[%dma_wait3A_259, %dma_wait3A_260] : memref<10000x128xf32, #tpu.memory_space<vmem_shared>> -> memref<10000x128xf32, #tpu.memory_space<vmem_shared>>
        tpu.wait_indirect_dma semaphore(%run_scoped3A_249 : memref<!tpu.dma_semaphore, #tpu.memory_space<semaphore_mem>>) src(%arg9 : memref<80x128xf32, #tpu.memory_space<vmem>>) dst(%dma_wait3A_261 : memref<10000x128xf32, #tpu.memory_space<vmem_shared>>)
        tpu.yield
      }) : () -> ()
      %add3A_221 = arith.constant 2 : i32
      %add3A_222 = arith.addi %add3A_174, %add3A_221 : i32
      %add3A_223 = arith.constant 4 : i32
      %add3A_224 = arith.addi %add3A_222, %add3A_223 : i32
      %lt3A_225 = arith.constant 125 : i32
      %lt3A_226 = arith.cmpi slt, %add3A_224, %lt3A_225 : i32
      %convert_element_type3A_227 = arith.extui %lt3A_226 : i1 to i32
      %cond3A_228 = arith.constant 0 : i32
      %cond3A_229 = arith.cmpi ne, %convert_element_type3A_227, %cond3A_228 : i32
      scf.if %cond3A_229 {
        %mul3A_249 = arith.constant 80 : i32
        %mul3A_250 = arith.muli %add3A_224, %mul3A_249 : i32
        %add3A_251 = arith.addi %mul3A_53, %mul3A_250 : i32
        %dma_start3A_252 = arith.constant 0 : i32
        %dma_start3A_253 = tpu.memref_slice %arg2[%add3A_251, %dma_start3A_252] : memref<640000x128xf32, #tpu.memory_space<hbm>> -> memref<80x128xf32, #tpu.memory_space<hbm>>
        %dma_start3A_254 = arith.constant 0 : i32
        %dma_start3A_255 = tpu.memref_slice %arg2[%add3A_251, %dma_start3A_254] : memref<640000x128xf32, #tpu.memory_space<hbm>> -> memref<80x128xf32, #tpu.memory_space<hbm>>
        tpu.enqueue_dma source(%dma_start3A_255 : memref<80x128xf32, #tpu.memory_space<hbm>>) target(%arg9 : memref<80x128xf32, #tpu.memory_space<vmem>>) target_semaphore(%arg13 : memref<!tpu.dma_semaphore, #tpu.memory_space<semaphore_mem>>)
      } else {
      }
      %dma_wait3A_230 = arith.constant 0 : i32
      %dma_wait3A_231 = arith.constant 0 : i32
      %dma_wait3A_232 = tpu.memref_slice %arg2[%dma_wait3A_230, %dma_wait3A_231] : memref<640000x128xf32, #tpu.memory_space<hbm>> -> memref<80x128xf32, #tpu.memory_space<hbm>>
      %dma_wait3A_233 = arith.constant 0 : i32
      %dma_wait3A_234 = arith.constant 0 : i32
      %dma_wait3A_235 = tpu.memref_slice %arg2[%dma_wait3A_233, %dma_wait3A_234] : memref<640000x128xf32, #tpu.memory_space<hbm>> -> memref<80x128xf32, #tpu.memory_space<hbm>>
      tpu.wait_dma2 semaphore(%arg14 : memref<!tpu.dma_semaphore, #tpu.memory_space<semaphore_mem>>) src(%dma_wait3A_235 : memref<80x128xf32, #tpu.memory_space<hbm>>) dst(%arg10 : memref<80x128xf32, #tpu.memory_space<vmem>>)
      %add3A_236 = arith.constant 3 : i32
      %add3A_237 = arith.addi %add3A_174, %add3A_236 : i32
      %sub3A_238 = arith.constant 0 : i32
      %sub3A_239 = arith.subi %add3A_237, %sub3A_238 : i32
      "tpu.region"() ({
        %run_scoped3A_249 = tpu.sem_alloc : memref<!tpu.dma_semaphore, #tpu.memory_space<semaphore_mem>>
        %dma_start3A_250 = arith.constant 0 : i32
        %dma_start3A_251 = tpu.memref_slice %arg6[%sub3A_239, %dma_start3A_250] : memref<64x80xi32, #tpu.memory_space<vmem>> -> memref<1x80xi32, #tpu.memory_space<vmem>>
        %dma_start3A_252 = tpu.memref_squeeze %dma_start3A_251 : memref<1x80xi32, #tpu.memory_space<vmem>> -> memref<80xi32, #tpu.memory_space<vmem>>
        %dma_start3A_253 = arith.constant 0 : i32
        %dma_start3A_254 = arith.constant 0 : i32
        %dma_start3A_255 = tpu.memref_slice %arg15[%dma_start3A_253, %dma_start3A_254] : memref<10000x128xf32, #tpu.memory_space<vmem_shared>> -> memref<10000x128xf32, #tpu.memory_space<vmem_shared>>
        tpu.enqueue_indirect_dma source(%arg10 : memref<80x128xf32, #tpu.memory_space<vmem>>) target(%dma_start3A_255 : memref<10000x128xf32, #tpu.memory_space<vmem_shared>>) offsets(%dma_start3A_252 : memref<80xi32, #tpu.memory_space<vmem>>) semaphore(%run_scoped3A_249 : memref<!tpu.dma_semaphore, #tpu.memory_space<semaphore_mem>>) {add = true}
        %dma_wait3A_256 = arith.constant 0 : i32
        %dma_wait3A_257 = tpu.memref_slice %arg6[%sub3A_239, %dma_wait3A_256] : memref<64x80xi32, #tpu.memory_space<vmem>> -> memref<1x80xi32, #tpu.memory_space<vmem>>
        %dma_wait3A_258 = tpu.memref_squeeze %dma_wait3A_257 : memref<1x80xi32, #tpu.memory_space<vmem>> -> memref<80xi32, #tpu.memory_space<vmem>>
        %dma_wait3A_259 = arith.constant 0 : i32
        %dma_wait3A_260 = arith.constant 0 : i32
        %dma_wait3A_261 = tpu.memref_slice %arg15[%dma_wait3A_259, %dma_wait3A_260] : memref<10000x128xf32, #tpu.memory_space<vmem_shared>> -> memref<10000x128xf32, #tpu.memory_space<vmem_shared>>
        tpu.wait_indirect_dma semaphore(%run_scoped3A_249 : memref<!tpu.dma_semaphore, #tpu.memory_space<semaphore_mem>>) src(%arg10 : memref<80x128xf32, #tpu.memory_space<vmem>>) dst(%dma_wait3A_261 : memref<10000x128xf32, #tpu.memory_space<vmem_shared>>)
        tpu.yield
      }) : () -> ()
      %add3A_240 = arith.constant 3 : i32
      %add3A_241 = arith.addi %add3A_174, %add3A_240 : i32
      %add3A_242 = arith.constant 4 : i32
      %add3A_243 = arith.addi %add3A_241, %add3A_242 : i32
      %lt3A_244 = arith.constant 125 : i32
      %lt3A_245 = arith.cmpi slt, %add3A_243, %lt3A_244 : i32
      %convert_element_type3A_246 = arith.extui %lt3A_245 : i1 to i32
      %cond3A_247 = arith.constant 0 : i32
      %cond3A_248 = arith.cmpi ne, %convert_element_type3A_246, %cond3A_247 : i32
      scf.if %cond3A_248 {
        %mul3A_249 = arith.constant 80 : i32
        %mul3A_250 = arith.muli %add3A_243, %mul3A_249 : i32
        %add3A_251 = arith.addi %mul3A_53, %mul3A_250 : i32
        %dma_start3A_252 = arith.constant 0 : i32
        %dma_start3A_253 = tpu.memref_slice %arg2[%add3A_251, %dma_start3A_252] : memref<640000x128xf32, #tpu.memory_space<hbm>> -> memref<80x128xf32, #tpu.memory_space<hbm>>
        %dma_start3A_254 = arith.constant 0 : i32
        %dma_start3A_255 = tpu.memref_slice %arg2[%add3A_251, %dma_start3A_254] : memref<640000x128xf32, #tpu.memory_space<hbm>> -> memref<80x128xf32, #tpu.memory_space<hbm>>
        tpu.enqueue_dma source(%dma_start3A_255 : memref<80x128xf32, #tpu.memory_space<hbm>>) target(%arg10 : memref<80x128xf32, #tpu.memory_space<vmem>>) target_semaphore(%arg14 : memref<!tpu.dma_semaphore, #tpu.memory_space<semaphore_mem>>)
      } else {
      }
    }
    %scan3A_58 = arith.constant 16 : i32
    "tpu.region"() ({
      %run_scoped3A_170 = tpu.sem_alloc : memref<!tpu.dma_semaphore, #tpu.memory_space<semaphore_mem>>
      %dma_start3A_171 = arith.constant 0 : i32
      %dma_start3A_172 = arith.constant 0 : i32
      %dma_start3A_173 = tpu.memref_slice %arg6[%dma_start3A_171, %dma_start3A_172] : memref<64x80xi32, #tpu.memory_space<vmem>> -> memref<61x80xi32, #tpu.memory_space<vmem>>
      %dma_start3A_174 = arith.constant 64 : i32
      %dma_start3A_175 = arith.constant 0 : i32
      %dma_start3A_176 = tpu.memref_slice %arg3[%add3A_51, %dma_start3A_174, %dma_start3A_175] : memref<64x125x80xi32, #tpu.memory_space<hbm>> -> memref<1x61x80xi32, #tpu.memory_space<hbm>>
      %dma_start3A_177 = tpu.memref_squeeze %dma_start3A_176 : memref<1x61x80xi32, #tpu.memory_space<hbm>> -> memref<61x80xi32, #tpu.memory_space<hbm>>
      %dma_start3A_178 = arith.constant 0 : i32
      %dma_start3A_179 = arith.constant 0 : i32
      %dma_start3A_180 = tpu.memref_slice %arg6[%dma_start3A_178, %dma_start3A_179] : memref<64x80xi32, #tpu.memory_space<vmem>> -> memref<61x80xi32, #tpu.memory_space<vmem>>
      %dma_start3A_181 = arith.constant 64 : i32
      %dma_start3A_182 = arith.constant 0 : i32
      %dma_start3A_183 = tpu.memref_slice %arg3[%add3A_51, %dma_start3A_181, %dma_start3A_182] : memref<64x125x80xi32, #tpu.memory_space<hbm>> -> memref<1x61x80xi32, #tpu.memory_space<hbm>>
      %dma_start3A_184 = tpu.memref_squeeze %dma_start3A_183 : memref<1x61x80xi32, #tpu.memory_space<hbm>> -> memref<61x80xi32, #tpu.memory_space<hbm>>
      tpu.enqueue_dma source(%dma_start3A_184 : memref<61x80xi32, #tpu.memory_space<hbm>>) target(%dma_start3A_180 : memref<61x80xi32, #tpu.memory_space<vmem>>) target_semaphore(%run_scoped3A_170 : memref<!tpu.dma_semaphore, #tpu.memory_space<semaphore_mem>>)
      %dma_wait3A_185 = arith.constant 0 : i32
      %dma_wait3A_186 = arith.constant 0 : i32
      %dma_wait3A_187 = tpu.memref_slice %arg6[%dma_wait3A_185, %dma_wait3A_186] : memref<64x80xi32, #tpu.memory_space<vmem>> -> memref<61x80xi32, #tpu.memory_space<vmem>>
      %dma_wait3A_188 = arith.constant 64 : i32
      %dma_wait3A_189 = arith.constant 0 : i32
      %dma_wait3A_190 = tpu.memref_slice %arg3[%add3A_51, %dma_wait3A_188, %dma_wait3A_189] : memref<64x125x80xi32, #tpu.memory_space<hbm>> -> memref<1x61x80xi32, #tpu.memory_space<hbm>>
      %dma_wait3A_191 = tpu.memref_squeeze %dma_wait3A_190 : memref<1x61x80xi32, #tpu.memory_space<hbm>> -> memref<61x80xi32, #tpu.memory_space<hbm>>
      %dma_wait3A_192 = arith.constant 0 : i32
      %dma_wait3A_193 = arith.constant 0 : i32
      %dma_wait3A_194 = tpu.memref_slice %arg6[%dma_wait3A_192, %dma_wait3A_193] : memref<64x80xi32, #tpu.memory_space<vmem>> -> memref<61x80xi32, #tpu.memory_space<vmem>>
      %dma_wait3A_195 = arith.constant 64 : i32
      %dma_wait3A_196 = arith.constant 0 : i32
      %dma_wait3A_197 = tpu.memref_slice %arg3[%add3A_51, %dma_wait3A_195, %dma_wait3A_196] : memref<64x125x80xi32, #tpu.memory_space<hbm>> -> memref<1x61x80xi32, #tpu.memory_space<hbm>>
      %dma_wait3A_198 = tpu.memref_squeeze %dma_wait3A_197 : memref<1x61x80xi32, #tpu.memory_space<hbm>> -> memref<61x80xi32, #tpu.memory_space<hbm>>
      tpu.wait_dma2 semaphore(%run_scoped3A_170 : memref<!tpu.dma_semaphore, #tpu.memory_space<semaphore_mem>>) src(%dma_wait3A_198 : memref<61x80xi32, #tpu.memory_space<hbm>>) dst(%dma_wait3A_194 : memref<61x80xi32, #tpu.memory_space<vmem>>)
      tpu.yield
    }) : () -> ()
    %scan3A_59 = arith.constant 0 : i32
    %scan3A_60 = arith.constant 0 : i32
    %scan3A_61 = arith.constant 15 : i32
    %scan3A_62 = arith.addi %scan3A_60, %scan3A_61 : i32
    %scan3A_63 = arith.constant 1 : i32
    scf.for %scan3A_170 = %scan3A_60 to %scan3A_62 step %scan3A_63  : i32 {
      %mul3A_171 = arith.constant 4 : i32
      %mul3A_172 = arith.muli %mul3A_171, %scan3A_170 : i32
      %add3A_173 = arith.constant 64 : i32
      %add3A_174 = arith.addi %add3A_173, %mul3A_172 : i32
      %dma_wait3A_175 = arith.constant 0 : i32
      %dma_wait3A_176 = arith.constant 0 : i32
      %dma_wait3A_177 = tpu.memref_slice %arg2[%dma_wait3A_175, %dma_wait3A_176] : memref<640000x128xf32, #tpu.memory_space<hbm>> -> memref<80x128xf32, #tpu.memory_space<hbm>>
      %dma_wait3A_178 = arith.constant 0 : i32
      %dma_wait3A_179 = arith.constant 0 : i32
      %dma_wait3A_180 = tpu.memref_slice %arg2[%dma_wait3A_178, %dma_wait3A_179] : memref<640000x128xf32, #tpu.memory_space<hbm>> -> memref<80x128xf32, #tpu.memory_space<hbm>>
      tpu.wait_dma2 semaphore(%arg11 : memref<!tpu.dma_semaphore, #tpu.memory_space<semaphore_mem>>) src(%dma_wait3A_180 : memref<80x128xf32, #tpu.memory_space<hbm>>) dst(%arg7 : memref<80x128xf32, #tpu.memory_space<vmem>>)
      %add3A_181 = arith.constant 0 : i32
      %add3A_182 = arith.addi %add3A_174, %add3A_181 : i32
      %sub3A = arith.constant 64 : i32
      %sub3A_183 = arith.subi %add3A_182, %sub3A : i32
      "tpu.region"() ({
        %run_scoped3A_249 = tpu.sem_alloc : memref<!tpu.dma_semaphore, #tpu.memory_space<semaphore_mem>>
        %dma_start3A_250 = arith.constant 0 : i32
        %dma_start3A_251 = tpu.memref_slice %arg6[%sub3A_183, %dma_start3A_250] : memref<64x80xi32, #tpu.memory_space<vmem>> -> memref<1x80xi32, #tpu.memory_space<vmem>>
        %dma_start3A_252 = tpu.memref_squeeze %dma_start3A_251 : memref<1x80xi32, #tpu.memory_space<vmem>> -> memref<80xi32, #tpu.memory_space<vmem>>
        %dma_start3A_253 = arith.constant 0 : i32
        %dma_start3A_254 = arith.constant 0 : i32
        %dma_start3A_255 = tpu.memref_slice %arg15[%dma_start3A_253, %dma_start3A_254] : memref<10000x128xf32, #tpu.memory_space<vmem_shared>> -> memref<10000x128xf32, #tpu.memory_space<vmem_shared>>
        tpu.enqueue_indirect_dma source(%arg7 : memref<80x128xf32, #tpu.memory_space<vmem>>) target(%dma_start3A_255 : memref<10000x128xf32, #tpu.memory_space<vmem_shared>>) offsets(%dma_start3A_252 : memref<80xi32, #tpu.memory_space<vmem>>) semaphore(%run_scoped3A_249 : memref<!tpu.dma_semaphore, #tpu.memory_space<semaphore_mem>>) {add = true}
        %dma_wait3A_256 = arith.constant 0 : i32
        %dma_wait3A_257 = tpu.memref_slice %arg6[%sub3A_183, %dma_wait3A_256] : memref<64x80xi32, #tpu.memory_space<vmem>> -> memref<1x80xi32, #tpu.memory_space<vmem>>
        %dma_wait3A_258 = tpu.memref_squeeze %dma_wait3A_257 : memref<1x80xi32, #tpu.memory_space<vmem>> -> memref<80xi32, #tpu.memory_space<vmem>>
        %dma_wait3A_259 = arith.constant 0 : i32
        %dma_wait3A_260 = arith.constant 0 : i32
        %dma_wait3A_261 = tpu.memref_slice %arg15[%dma_wait3A_259, %dma_wait3A_260] : memref<10000x128xf32, #tpu.memory_space<vmem_shared>> -> memref<10000x128xf32, #tpu.memory_space<vmem_shared>>
        tpu.wait_indirect_dma semaphore(%run_scoped3A_249 : memref<!tpu.dma_semaphore, #tpu.memory_space<semaphore_mem>>) src(%arg7 : memref<80x128xf32, #tpu.memory_space<vmem>>) dst(%dma_wait3A_261 : memref<10000x128xf32, #tpu.memory_space<vmem_shared>>)
        tpu.yield
      }) : () -> ()
      %add3A_184 = arith.constant 0 : i32
      %add3A_185 = arith.addi %add3A_174, %add3A_184 : i32
      %add3A_186 = arith.constant 4 : i32
      %add3A_187 = arith.addi %add3A_185, %add3A_186 : i32
      %lt3A = arith.constant 125 : i32
      %lt3A_188 = arith.cmpi slt, %add3A_187, %lt3A : i32
      %convert_element_type3A_189 = arith.extui %lt3A_188 : i1 to i32
      %cond3A_190 = arith.constant 0 : i32
      %cond3A_191 = arith.cmpi ne, %convert_element_type3A_189, %cond3A_190 : i32
      scf.if %cond3A_191 {
        %mul3A_249 = arith.constant 80 : i32
        %mul3A_250 = arith.muli %add3A_187, %mul3A_249 : i32
        %add3A_251 = arith.addi %mul3A_53, %mul3A_250 : i32
        %dma_start3A_252 = arith.constant 0 : i32
        %dma_start3A_253 = tpu.memref_slice %arg2[%add3A_251, %dma_start3A_252] : memref<640000x128xf32, #tpu.memory_space<hbm>> -> memref<80x128xf32, #tpu.memory_space<hbm>>
        %dma_start3A_254 = arith.constant 0 : i32
        %dma_start3A_255 = tpu.memref_slice %arg2[%add3A_251, %dma_start3A_254] : memref<640000x128xf32, #tpu.memory_space<hbm>> -> memref<80x128xf32, #tpu.memory_space<hbm>>
        tpu.enqueue_dma source(%dma_start3A_255 : memref<80x128xf32, #tpu.memory_space<hbm>>) target(%arg7 : memref<80x128xf32, #tpu.memory_space<vmem>>) target_semaphore(%arg11 : memref<!tpu.dma_semaphore, #tpu.memory_space<semaphore_mem>>)
      } else {
      }
      %dma_wait3A_192 = arith.constant 0 : i32
      %dma_wait3A_193 = arith.constant 0 : i32
      %dma_wait3A_194 = tpu.memref_slice %arg2[%dma_wait3A_192, %dma_wait3A_193] : memref<640000x128xf32, #tpu.memory_space<hbm>> -> memref<80x128xf32, #tpu.memory_space<hbm>>
      %dma_wait3A_195 = arith.constant 0 : i32
      %dma_wait3A_196 = arith.constant 0 : i32
      %dma_wait3A_197 = tpu.memref_slice %arg2[%dma_wait3A_195, %dma_wait3A_196] : memref<640000x128xf32, #tpu.memory_space<hbm>> -> memref<80x128xf32, #tpu.memory_space<hbm>>
      tpu.wait_dma2 semaphore(%arg12 : memref<!tpu.dma_semaphore, #tpu.memory_space<semaphore_mem>>) src(%dma_wait3A_197 : memref<80x128xf32, #tpu.memory_space<hbm>>) dst(%arg8 : memref<80x128xf32, #tpu.memory_space<vmem>>)
      %add3A_198 = arith.constant 1 : i32
      %add3A_199 = arith.addi %add3A_174, %add3A_198 : i32
      %sub3A_200 = arith.constant 64 : i32
      %sub3A_201 = arith.subi %add3A_199, %sub3A_200 : i32
      "tpu.region"() ({
        %run_scoped3A_249 = tpu.sem_alloc : memref<!tpu.dma_semaphore, #tpu.memory_space<semaphore_mem>>
        %dma_start3A_250 = arith.constant 0 : i32
        %dma_start3A_251 = tpu.memref_slice %arg6[%sub3A_201, %dma_start3A_250] : memref<64x80xi32, #tpu.memory_space<vmem>> -> memref<1x80xi32, #tpu.memory_space<vmem>>
        %dma_start3A_252 = tpu.memref_squeeze %dma_start3A_251 : memref<1x80xi32, #tpu.memory_space<vmem>> -> memref<80xi32, #tpu.memory_space<vmem>>
        %dma_start3A_253 = arith.constant 0 : i32
        %dma_start3A_254 = arith.constant 0 : i32
        %dma_start3A_255 = tpu.memref_slice %arg15[%dma_start3A_253, %dma_start3A_254] : memref<10000x128xf32, #tpu.memory_space<vmem_shared>> -> memref<10000x128xf32, #tpu.memory_space<vmem_shared>>
        tpu.enqueue_indirect_dma source(%arg8 : memref<80x128xf32, #tpu.memory_space<vmem>>) target(%dma_start3A_255 : memref<10000x128xf32, #tpu.memory_space<vmem_shared>>) offsets(%dma_start3A_252 : memref<80xi32, #tpu.memory_space<vmem>>) semaphore(%run_scoped3A_249 : memref<!tpu.dma_semaphore, #tpu.memory_space<semaphore_mem>>) {add = true}
        %dma_wait3A_256 = arith.constant 0 : i32
        %dma_wait3A_257 = tpu.memref_slice %arg6[%sub3A_201, %dma_wait3A_256] : memref<64x80xi32, #tpu.memory_space<vmem>> -> memref<1x80xi32, #tpu.memory_space<vmem>>
        %dma_wait3A_258 = tpu.memref_squeeze %dma_wait3A_257 : memref<1x80xi32, #tpu.memory_space<vmem>> -> memref<80xi32, #tpu.memory_space<vmem>>
        %dma_wait3A_259 = arith.constant 0 : i32
        %dma_wait3A_260 = arith.constant 0 : i32
        %dma_wait3A_261 = tpu.memref_slice %arg15[%dma_wait3A_259, %dma_wait3A_260] : memref<10000x128xf32, #tpu.memory_space<vmem_shared>> -> memref<10000x128xf32, #tpu.memory_space<vmem_shared>>
        tpu.wait_indirect_dma semaphore(%run_scoped3A_249 : memref<!tpu.dma_semaphore, #tpu.memory_space<semaphore_mem>>) src(%arg8 : memref<80x128xf32, #tpu.memory_space<vmem>>) dst(%dma_wait3A_261 : memref<10000x128xf32, #tpu.memory_space<vmem_shared>>)
        tpu.yield
      }) : () -> ()
      %add3A_202 = arith.constant 1 : i32
      %add3A_203 = arith.addi %add3A_174, %add3A_202 : i32
      %add3A_204 = arith.constant 4 : i32
      %add3A_205 = arith.addi %add3A_203, %add3A_204 : i32
      %lt3A_206 = arith.constant 125 : i32
      %lt3A_207 = arith.cmpi slt, %add3A_205, %lt3A_206 : i32
      %convert_element_type3A_208 = arith.extui %lt3A_207 : i1 to i32
      %cond3A_209 = arith.constant 0 : i32
      %cond3A_210 = arith.cmpi ne, %convert_element_type3A_208, %cond3A_209 : i32
      scf.if %cond3A_210 {
        %mul3A_249 = arith.constant 80 : i32
        %mul3A_250 = arith.muli %add3A_205, %mul3A_249 : i32
        %add3A_251 = arith.addi %mul3A_53, %mul3A_250 : i32
        %dma_start3A_252 = arith.constant 0 : i32
        %dma_start3A_253 = tpu.memref_slice %arg2[%add3A_251, %dma_start3A_252] : memref<640000x128xf32, #tpu.memory_space<hbm>> -> memref<80x128xf32, #tpu.memory_space<hbm>>
        %dma_start3A_254 = arith.constant 0 : i32
        %dma_start3A_255 = tpu.memref_slice %arg2[%add3A_251, %dma_start3A_254] : memref<640000x128xf32, #tpu.memory_space<hbm>> -> memref<80x128xf32, #tpu.memory_space<hbm>>
        tpu.enqueue_dma source(%dma_start3A_255 : memref<80x128xf32, #tpu.memory_space<hbm>>) target(%arg8 : memref<80x128xf32, #tpu.memory_space<vmem>>) target_semaphore(%arg12 : memref<!tpu.dma_semaphore, #tpu.memory_space<semaphore_mem>>)
      } else {
      }
      %dma_wait3A_211 = arith.constant 0 : i32
      %dma_wait3A_212 = arith.constant 0 : i32
      %dma_wait3A_213 = tpu.memref_slice %arg2[%dma_wait3A_211, %dma_wait3A_212] : memref<640000x128xf32, #tpu.memory_space<hbm>> -> memref<80x128xf32, #tpu.memory_space<hbm>>
      %dma_wait3A_214 = arith.constant 0 : i32
      %dma_wait3A_215 = arith.constant 0 : i32
      %dma_wait3A_216 = tpu.memref_slice %arg2[%dma_wait3A_214, %dma_wait3A_215] : memref<640000x128xf32, #tpu.memory_space<hbm>> -> memref<80x128xf32, #tpu.memory_space<hbm>>
      tpu.wait_dma2 semaphore(%arg13 : memref<!tpu.dma_semaphore, #tpu.memory_space<semaphore_mem>>) src(%dma_wait3A_216 : memref<80x128xf32, #tpu.memory_space<hbm>>) dst(%arg9 : memref<80x128xf32, #tpu.memory_space<vmem>>)
      %add3A_217 = arith.constant 2 : i32
      %add3A_218 = arith.addi %add3A_174, %add3A_217 : i32
      %sub3A_219 = arith.constant 64 : i32
      %sub3A_220 = arith.subi %add3A_218, %sub3A_219 : i32
      "tpu.region"() ({
        %run_scoped3A_249 = tpu.sem_alloc : memref<!tpu.dma_semaphore, #tpu.memory_space<semaphore_mem>>
        %dma_start3A_250 = arith.constant 0 : i32
        %dma_start3A_251 = tpu.memref_slice %arg6[%sub3A_220, %dma_start3A_250] : memref<64x80xi32, #tpu.memory_space<vmem>> -> memref<1x80xi32, #tpu.memory_space<vmem>>
        %dma_start3A_252 = tpu.memref_squeeze %dma_start3A_251 : memref<1x80xi32, #tpu.memory_space<vmem>> -> memref<80xi32, #tpu.memory_space<vmem>>
        %dma_start3A_253 = arith.constant 0 : i32
        %dma_start3A_254 = arith.constant 0 : i32
        %dma_start3A_255 = tpu.memref_slice %arg15[%dma_start3A_253, %dma_start3A_254] : memref<10000x128xf32, #tpu.memory_space<vmem_shared>> -> memref<10000x128xf32, #tpu.memory_space<vmem_shared>>
        tpu.enqueue_indirect_dma source(%arg9 : memref<80x128xf32, #tpu.memory_space<vmem>>) target(%dma_start3A_255 : memref<10000x128xf32, #tpu.memory_space<vmem_shared>>) offsets(%dma_start3A_252 : memref<80xi32, #tpu.memory_space<vmem>>) semaphore(%run_scoped3A_249 : memref<!tpu.dma_semaphore, #tpu.memory_space<semaphore_mem>>) {add = true}
        %dma_wait3A_256 = arith.constant 0 : i32
        %dma_wait3A_257 = tpu.memref_slice %arg6[%sub3A_220, %dma_wait3A_256] : memref<64x80xi32, #tpu.memory_space<vmem>> -> memref<1x80xi32, #tpu.memory_space<vmem>>
        %dma_wait3A_258 = tpu.memref_squeeze %dma_wait3A_257 : memref<1x80xi32, #tpu.memory_space<vmem>> -> memref<80xi32, #tpu.memory_space<vmem>>
        %dma_wait3A_259 = arith.constant 0 : i32
        %dma_wait3A_260 = arith.constant 0 : i32
        %dma_wait3A_261 = tpu.memref_slice %arg15[%dma_wait3A_259, %dma_wait3A_260] : memref<10000x128xf32, #tpu.memory_space<vmem_shared>> -> memref<10000x128xf32, #tpu.memory_space<vmem_shared>>
        tpu.wait_indirect_dma semaphore(%run_scoped3A_249 : memref<!tpu.dma_semaphore, #tpu.memory_space<semaphore_mem>>) src(%arg9 : memref<80x128xf32, #tpu.memory_space<vmem>>) dst(%dma_wait3A_261 : memref<10000x128xf32, #tpu.memory_space<vmem_shared>>)
        tpu.yield
      }) : () -> ()
      %add3A_221 = arith.constant 2 : i32
      %add3A_222 = arith.addi %add3A_174, %add3A_221 : i32
      %add3A_223 = arith.constant 4 : i32
      %add3A_224 = arith.addi %add3A_222, %add3A_223 : i32
      %lt3A_225 = arith.constant 125 : i32
      %lt3A_226 = arith.cmpi slt, %add3A_224, %lt3A_225 : i32
      %convert_element_type3A_227 = arith.extui %lt3A_226 : i1 to i32
      %cond3A_228 = arith.constant 0 : i32
      %cond3A_229 = arith.cmpi ne, %convert_element_type3A_227, %cond3A_228 : i32
      scf.if %cond3A_229 {
        %mul3A_249 = arith.constant 80 : i32
        %mul3A_250 = arith.muli %add3A_224, %mul3A_249 : i32
        %add3A_251 = arith.addi %mul3A_53, %mul3A_250 : i32
        %dma_start3A_252 = arith.constant 0 : i32
        %dma_start3A_253 = tpu.memref_slice %arg2[%add3A_251, %dma_start3A_252] : memref<640000x128xf32, #tpu.memory_space<hbm>> -> memref<80x128xf32, #tpu.memory_space<hbm>>
        %dma_start3A_254 = arith.constant 0 : i32
        %dma_start3A_255 = tpu.memref_slice %arg2[%add3A_251, %dma_start3A_254] : memref<640000x128xf32, #tpu.memory_space<hbm>> -> memref<80x128xf32, #tpu.memory_space<hbm>>
        tpu.enqueue_dma source(%dma_start3A_255 : memref<80x128xf32, #tpu.memory_space<hbm>>) target(%arg9 : memref<80x128xf32, #tpu.memory_space<vmem>>) target_semaphore(%arg13 : memref<!tpu.dma_semaphore, #tpu.memory_space<semaphore_mem>>)
      } else {
      }
      %dma_wait3A_230 = arith.constant 0 : i32
      %dma_wait3A_231 = arith.constant 0 : i32
      %dma_wait3A_232 = tpu.memref_slice %arg2[%dma_wait3A_230, %dma_wait3A_231] : memref<640000x128xf32, #tpu.memory_space<hbm>> -> memref<80x128xf32, #tpu.memory_space<hbm>>
      %dma_wait3A_233 = arith.constant 0 : i32
      %dma_wait3A_234 = arith.constant 0 : i32
      %dma_wait3A_235 = tpu.memref_slice %arg2[%dma_wait3A_233, %dma_wait3A_234] : memref<640000x128xf32, #tpu.memory_space<hbm>> -> memref<80x128xf32, #tpu.memory_space<hbm>>
      tpu.wait_dma2 semaphore(%arg14 : memref<!tpu.dma_semaphore, #tpu.memory_space<semaphore_mem>>) src(%dma_wait3A_235 : memref<80x128xf32, #tpu.memory_space<hbm>>) dst(%arg10 : memref<80x128xf32, #tpu.memory_space<vmem>>)
      %add3A_236 = arith.constant 3 : i32
      %add3A_237 = arith.addi %add3A_174, %add3A_236 : i32
      %sub3A_238 = arith.constant 64 : i32
      %sub3A_239 = arith.subi %add3A_237, %sub3A_238 : i32
      "tpu.region"() ({
        %run_scoped3A_249 = tpu.sem_alloc : memref<!tpu.dma_semaphore, #tpu.memory_space<semaphore_mem>>
        %dma_start3A_250 = arith.constant 0 : i32
        %dma_start3A_251 = tpu.memref_slice %arg6[%sub3A_239, %dma_start3A_250] : memref<64x80xi32, #tpu.memory_space<vmem>> -> memref<1x80xi32, #tpu.memory_space<vmem>>
        %dma_start3A_252 = tpu.memref_squeeze %dma_start3A_251 : memref<1x80xi32, #tpu.memory_space<vmem>> -> memref<80xi32, #tpu.memory_space<vmem>>
        %dma_start3A_253 = arith.constant 0 : i32
        %dma_start3A_254 = arith.constant 0 : i32
        %dma_start3A_255 = tpu.memref_slice %arg15[%dma_start3A_253, %dma_start3A_254] : memref<10000x128xf32, #tpu.memory_space<vmem_shared>> -> memref<10000x128xf32, #tpu.memory_space<vmem_shared>>
        tpu.enqueue_indirect_dma source(%arg10 : memref<80x128xf32, #tpu.memory_space<vmem>>) target(%dma_start3A_255 : memref<10000x128xf32, #tpu.memory_space<vmem_shared>>) offsets(%dma_start3A_252 : memref<80xi32, #tpu.memory_space<vmem>>) semaphore(%run_scoped3A_249 : memref<!tpu.dma_semaphore, #tpu.memory_space<semaphore_mem>>) {add = true}
        %dma_wait3A_256 = arith.constant 0 : i32
        %dma_wait3A_257 = tpu.memref_slice %arg6[%sub3A_239, %dma_wait3A_256] : memref<64x80xi32, #tpu.memory_space<vmem>> -> memref<1x80xi32, #tpu.memory_space<vmem>>
        %dma_wait3A_258 = tpu.memref_squeeze %dma_wait3A_257 : memref<1x80xi32, #tpu.memory_space<vmem>> -> memref<80xi32, #tpu.memory_space<vmem>>
        %dma_wait3A_259 = arith.constant 0 : i32
        %dma_wait3A_260 = arith.constant 0 : i32
        %dma_wait3A_261 = tpu.memref_slice %arg15[%dma_wait3A_259, %dma_wait3A_260] : memref<10000x128xf32, #tpu.memory_space<vmem_shared>> -> memref<10000x128xf32, #tpu.memory_space<vmem_shared>>
        tpu.wait_indirect_dma semaphore(%run_scoped3A_249 : memref<!tpu.dma_semaphore, #tpu.memory_space<semaphore_mem>>) src(%arg10 : memref<80x128xf32, #tpu.memory_space<vmem>>) dst(%dma_wait3A_261 : memref<10000x128xf32, #tpu.memory_space<vmem_shared>>)
        tpu.yield
      }) : () -> ()
      %add3A_240 = arith.constant 3 : i32
      %add3A_241 = arith.addi %add3A_174, %add3A_240 : i32
      %add3A_242 = arith.constant 4 : i32
      %add3A_243 = arith.addi %add3A_241, %add3A_242 : i32
      %lt3A_244 = arith.constant 125 : i32
      %lt3A_245 = arith.cmpi slt, %add3A_243, %lt3A_244 : i32
      %convert_element_type3A_246 = arith.extui %lt3A_245 : i1 to i32
      %cond3A_247 = arith.constant 0 : i32
      %cond3A_248 = arith.cmpi ne, %convert_element_type3A_246, %cond3A_247 : i32
      scf.if %cond3A_248 {
        %mul3A_249 = arith.constant 80 : i32
        %mul3A_250 = arith.muli %add3A_243, %mul3A_249 : i32
        %add3A_251 = arith.addi %mul3A_53, %mul3A_250 : i32
        %dma_start3A_252 = arith.constant 0 : i32
        %dma_start3A_253 = tpu.memref_slice %arg2[%add3A_251, %dma_start3A_252] : memref<640000x128xf32, #tpu.memory_space<hbm>> -> memref<80x128xf32, #tpu.memory_space<hbm>>
        %dma_start3A_254 = arith.constant 0 : i32
        %dma_start3A_255 = tpu.memref_slice %arg2[%add3A_251, %dma_start3A_254] : memref<640000x128xf32, #tpu.memory_space<hbm>> -> memref<80x128xf32, #tpu.memory_space<hbm>>
        tpu.enqueue_dma source(%dma_start3A_255 : memref<80x128xf32, #tpu.memory_space<hbm>>) target(%arg10 : memref<80x128xf32, #tpu.memory_space<vmem>>) target_semaphore(%arg14 : memref<!tpu.dma_semaphore, #tpu.memory_space<semaphore_mem>>)
      } else {
      }
    }
    %scan3A_64 = arith.constant 15 : i32
    %dma_wait3A = arith.constant 0 : i32
    %dma_wait3A_65 = arith.constant 0 : i32
    %dma_wait3A_66 = tpu.memref_slice %arg2[%dma_wait3A, %dma_wait3A_65] : memref<640000x128xf32, #tpu.memory_space<hbm>> -> memref<80x128xf32, #tpu.memory_space<hbm>>
    %dma_wait3A_67 = arith.constant 0 : i32
    %dma_wait3A_68 = arith.constant 0 : i32
    %dma_wait3A_69 = tpu.memref_slice %arg2[%dma_wait3A_67, %dma_wait3A_68] : memref<640000x128xf32, #tpu.memory_space<hbm>> -> memref<80x128xf32, #tpu.memory_space<hbm>>
    tpu.wait_dma2 semaphore(%arg11 : memref<!tpu.dma_semaphore, #tpu.memory_space<semaphore_mem>>) src(%dma_wait3A_69 : memref<80x128xf32, #tpu.memory_space<hbm>>) dst(%arg7 : memref<80x128xf32, #tpu.memory_space<vmem>>)
    %run_scoped3A = arith.constant 60 : i32
    "tpu.region"() ({
      %run_scoped3A_170 = tpu.sem_alloc : memref<!tpu.dma_semaphore, #tpu.memory_space<semaphore_mem>>
      %dma_start3A_171 = arith.constant 0 : i32
      %dma_start3A_172 = tpu.memref_slice %arg6[%run_scoped3A, %dma_start3A_171] : memref<64x80xi32, #tpu.memory_space<vmem>> -> memref<1x80xi32, #tpu.memory_space<vmem>>
      %dma_start3A_173 = tpu.memref_squeeze %dma_start3A_172 : memref<1x80xi32, #tpu.memory_space<vmem>> -> memref<80xi32, #tpu.memory_space<vmem>>
      %dma_start3A_174 = arith.constant 0 : i32
      %dma_start3A_175 = arith.constant 0 : i32
      %dma_start3A_176 = tpu.memref_slice %arg15[%dma_start3A_174, %dma_start3A_175] : memref<10000x128xf32, #tpu.memory_space<vmem_shared>> -> memref<10000x128xf32, #tpu.memory_space<vmem_shared>>
      tpu.enqueue_indirect_dma source(%arg7 : memref<80x128xf32, #tpu.memory_space<vmem>>) target(%dma_start3A_176 : memref<10000x128xf32, #tpu.memory_space<vmem_shared>>) offsets(%dma_start3A_173 : memref<80xi32, #tpu.memory_space<vmem>>) semaphore(%run_scoped3A_170 : memref<!tpu.dma_semaphore, #tpu.memory_space<semaphore_mem>>) {add = true}
      %dma_wait3A_177 = arith.constant 0 : i32
      %dma_wait3A_178 = tpu.memref_slice %arg6[%run_scoped3A, %dma_wait3A_177] : memref<64x80xi32, #tpu.memory_space<vmem>> -> memref<1x80xi32, #tpu.memory_space<vmem>>
      %dma_wait3A_179 = tpu.memref_squeeze %dma_wait3A_178 : memref<1x80xi32, #tpu.memory_space<vmem>> -> memref<80xi32, #tpu.memory_space<vmem>>
      %dma_wait3A_180 = arith.constant 0 : i32
      %dma_wait3A_181 = arith.constant 0 : i32
      %dma_wait3A_182 = tpu.memref_slice %arg15[%dma_wait3A_180, %dma_wait3A_181] : memref<10000x128xf32, #tpu.memory_space<vmem_shared>> -> memref<10000x128xf32, #tpu.memory_space<vmem_shared>>
      tpu.wait_indirect_dma semaphore(%run_scoped3A_170 : memref<!tpu.dma_semaphore, #tpu.memory_space<semaphore_mem>>) src(%arg7 : memref<80x128xf32, #tpu.memory_space<vmem>>) dst(%dma_wait3A_182 : memref<10000x128xf32, #tpu.memory_space<vmem_shared>>)
      tpu.yield
    }) : () -> ()
    %barrier3A_70 = arith.constant 0 : index
    tpu.barrier barrier_id(%barrier3A_70)
    %mul3A_71 = arith.constant 2 : i32
    %mul3A_72 = arith.muli %arg0, %mul3A_71 : i32
    %add3A_73 = arith.constant 1 : i32
    %add3A_74 = arith.addi %mul3A_72, %add3A_73 : i32
    %mul3A_75 = arith.constant 16 : i32
    %mul3A_76 = arith.muli %add3A_74, %mul3A_75 : i32
    %add3A_77 = arith.addi %mul3A_76, %arg1 : i32
    %mul3A_78 = arith.constant 10000 : i32
    %mul3A_79 = arith.muli %add3A_77, %mul3A_78 : i32
    %add3A_80 = arith.constant 0 : i32
    %add3A_81 = arith.addi %mul3A_79, %add3A_80 : i32
    %dma_start3A_82 = arith.constant 0 : i32
    %dma_start3A_83 = tpu.memref_slice %arg2[%add3A_81, %dma_start3A_82] : memref<640000x128xf32, #tpu.memory_space<hbm>> -> memref<80x128xf32, #tpu.memory_space<hbm>>
    %dma_start3A_84 = arith.constant 0 : i32
    %dma_start3A_85 = tpu.memref_slice %arg2[%add3A_81, %dma_start3A_84] : memref<640000x128xf32, #tpu.memory_space<hbm>> -> memref<80x128xf32, #tpu.memory_space<hbm>>
    tpu.enqueue_dma source(%dma_start3A_85 : memref<80x128xf32, #tpu.memory_space<hbm>>) target(%arg7 : memref<80x128xf32, #tpu.memory_space<vmem>>) target_semaphore(%arg11 : memref<!tpu.dma_semaphore, #tpu.memory_space<semaphore_mem>>)
    %add3A_86 = arith.constant 80 : i32
    %add3A_87 = arith.addi %mul3A_79, %add3A_86 : i32
    %dma_start3A_88 = arith.constant 0 : i32
    %dma_start3A_89 = tpu.memref_slice %arg2[%add3A_87, %dma_start3A_88] : memref<640000x128xf32, #tpu.memory_space<hbm>> -> memref<80x128xf32, #tpu.memory_space<hbm>>
    %dma_start3A_90 = arith.constant 0 : i32
    %dma_start3A_91 = tpu.memref_slice %arg2[%add3A_87, %dma_start3A_90] : memref<640000x128xf32, #tpu.memory_space<hbm>> -> memref<80x128xf32, #tpu.memory_space<hbm>>
    tpu.enqueue_dma source(%dma_start3A_91 : memref<80x128xf32, #tpu.memory_space<hbm>>) target(%arg8 : memref<80x128xf32, #tpu.memory_space<vmem>>) target_semaphore(%arg12 : memref<!tpu.dma_semaphore, #tpu.memory_space<semaphore_mem>>)
    %add3A_92 = arith.constant 160 : i32
    %add3A_93 = arith.addi %mul3A_79, %add3A_92 : i32
    %dma_start3A_94 = arith.constant 0 : i32
    %dma_start3A_95 = tpu.memref_slice %arg2[%add3A_93, %dma_start3A_94] : memref<640000x128xf32, #tpu.memory_space<hbm>> -> memref<80x128xf32, #tpu.memory_space<hbm>>
    %dma_start3A_96 = arith.constant 0 : i32
    %dma_start3A_97 = tpu.memref_slice %arg2[%add3A_93, %dma_start3A_96] : memref<640000x128xf32, #tpu.memory_space<hbm>> -> memref<80x128xf32, #tpu.memory_space<hbm>>
    tpu.enqueue_dma source(%dma_start3A_97 : memref<80x128xf32, #tpu.memory_space<hbm>>) target(%arg9 : memref<80x128xf32, #tpu.memory_space<vmem>>) target_semaphore(%arg13 : memref<!tpu.dma_semaphore, #tpu.memory_space<semaphore_mem>>)
    %add3A_98 = arith.constant 240 : i32
    %add3A_99 = arith.addi %mul3A_79, %add3A_98 : i32
    %dma_start3A_100 = arith.constant 0 : i32
    %dma_start3A_101 = tpu.memref_slice %arg2[%add3A_99, %dma_start3A_100] : memref<640000x128xf32, #tpu.memory_space<hbm>> -> memref<80x128xf32, #tpu.memory_space<hbm>>
    %dma_start3A_102 = arith.constant 0 : i32
    %dma_start3A_103 = tpu.memref_slice %arg2[%add3A_99, %dma_start3A_102] : memref<640000x128xf32, #tpu.memory_space<hbm>> -> memref<80x128xf32, #tpu.memory_space<hbm>>
    tpu.enqueue_dma source(%dma_start3A_103 : memref<80x128xf32, #tpu.memory_space<hbm>>) target(%arg10 : memref<80x128xf32, #tpu.memory_space<vmem>>) target_semaphore(%arg14 : memref<!tpu.dma_semaphore, #tpu.memory_space<semaphore_mem>>)
    %mul3A_104 = arith.constant 2 : i32
    %mul3A_105 = arith.muli %arg0, %mul3A_104 : i32
    %add3A_106 = arith.constant 1 : i32
    %add3A_107 = arith.addi %mul3A_105, %add3A_106 : i32
    %mul3A_108 = arith.constant 16 : i32
    %mul3A_109 = arith.muli %add3A_107, %mul3A_108 : i32
    %add3A_110 = arith.addi %mul3A_109, %arg1 : i32
    "tpu.region"() ({
      %run_scoped3A_170 = tpu.sem_alloc : memref<!tpu.dma_semaphore, #tpu.memory_space<semaphore_mem>>
      %dma_start3A_171 = arith.constant 0 : i32
      %dma_start3A_172 = arith.constant 0 : i32
      %dma_start3A_173 = tpu.memref_slice %arg6[%dma_start3A_171, %dma_start3A_172] : memref<64x80xi32, #tpu.memory_space<vmem>> -> memref<64x80xi32, #tpu.memory_space<vmem>>
      %dma_start3A_174 = arith.constant 0 : i32
      %dma_start3A_175 = arith.constant 0 : i32
      %dma_start3A_176 = tpu.memref_slice %arg3[%add3A_110, %dma_start3A_174, %dma_start3A_175] : memref<64x125x80xi32, #tpu.memory_space<hbm>> -> memref<1x64x80xi32, #tpu.memory_space<hbm>>
      %dma_start3A_177 = tpu.memref_squeeze %dma_start3A_176 : memref<1x64x80xi32, #tpu.memory_space<hbm>> -> memref<64x80xi32, #tpu.memory_space<hbm>>
      %dma_start3A_178 = arith.constant 0 : i32
      %dma_start3A_179 = arith.constant 0 : i32
      %dma_start3A_180 = tpu.memref_slice %arg6[%dma_start3A_178, %dma_start3A_179] : memref<64x80xi32, #tpu.memory_space<vmem>> -> memref<64x80xi32, #tpu.memory_space<vmem>>
      %dma_start3A_181 = arith.constant 0 : i32
      %dma_start3A_182 = arith.constant 0 : i32
      %dma_start3A_183 = tpu.memref_slice %arg3[%add3A_110, %dma_start3A_181, %dma_start3A_182] : memref<64x125x80xi32, #tpu.memory_space<hbm>> -> memref<1x64x80xi32, #tpu.memory_space<hbm>>
      %dma_start3A_184 = tpu.memref_squeeze %dma_start3A_183 : memref<1x64x80xi32, #tpu.memory_space<hbm>> -> memref<64x80xi32, #tpu.memory_space<hbm>>
      tpu.enqueue_dma source(%dma_start3A_184 : memref<64x80xi32, #tpu.memory_space<hbm>>) target(%dma_start3A_180 : memref<64x80xi32, #tpu.memory_space<vmem>>) target_semaphore(%run_scoped3A_170 : memref<!tpu.dma_semaphore, #tpu.memory_space<semaphore_mem>>)
      %dma_wait3A_185 = arith.constant 0 : i32
      %dma_wait3A_186 = arith.constant 0 : i32
      %dma_wait3A_187 = tpu.memref_slice %arg6[%dma_wait3A_185, %dma_wait3A_186] : memref<64x80xi32, #tpu.memory_space<vmem>> -> memref<64x80xi32, #tpu.memory_space<vmem>>
      %dma_wait3A_188 = arith.constant 0 : i32
      %dma_wait3A_189 = arith.constant 0 : i32
      %dma_wait3A_190 = tpu.memref_slice %arg3[%add3A_110, %dma_wait3A_188, %dma_wait3A_189] : memref<64x125x80xi32, #tpu.memory_space<hbm>> -> memref<1x64x80xi32, #tpu.memory_space<hbm>>
      %dma_wait3A_191 = tpu.memref_squeeze %dma_wait3A_190 : memref<1x64x80xi32, #tpu.memory_space<hbm>> -> memref<64x80xi32, #tpu.memory_space<hbm>>
      %dma_wait3A_192 = arith.constant 0 : i32
      %dma_wait3A_193 = arith.constant 0 : i32
      %dma_wait3A_194 = tpu.memref_slice %arg6[%dma_wait3A_192, %dma_wait3A_193] : memref<64x80xi32, #tpu.memory_space<vmem>> -> memref<64x80xi32, #tpu.memory_space<vmem>>
      %dma_wait3A_195 = arith.constant 0 : i32
      %dma_wait3A_196 = arith.constant 0 : i32
      %dma_wait3A_197 = tpu.memref_slice %arg3[%add3A_110, %dma_wait3A_195, %dma_wait3A_196] : memref<64x125x80xi32, #tpu.memory_space<hbm>> -> memref<1x64x80xi32, #tpu.memory_space<hbm>>
      %dma_wait3A_198 = tpu.memref_squeeze %dma_wait3A_197 : memref<1x64x80xi32, #tpu.memory_space<hbm>> -> memref<64x80xi32, #tpu.memory_space<hbm>>
      tpu.wait_dma2 semaphore(%run_scoped3A_170 : memref<!tpu.dma_semaphore, #tpu.memory_space<semaphore_mem>>) src(%dma_wait3A_198 : memref<64x80xi32, #tpu.memory_space<hbm>>) dst(%dma_wait3A_194 : memref<64x80xi32, #tpu.memory_space<vmem>>)
      tpu.yield
    }) : () -> ()
    %mul3A_111 = arith.constant 10000 : i32
    %mul3A_112 = arith.muli %add3A_44, %mul3A_111 : i32
    %mul3A_113 = arith.constant 624 : i32
    %mul3A_114 = arith.muli %arg1, %mul3A_113 : i32
    "tpu.region"() ({
      %run_scoped3A_170 = tpu.sem_alloc : memref<!tpu.dma_semaphore, #tpu.memory_space<semaphore_mem>>
      %dma_start3A_171 = arith.constant 0 : i32
      %dma_start3A_172 = tpu.memref_slice %arg5[%mul3A_112, %dma_start3A_171] : memref<40000x128xf32, #tpu.memory_space<hbm>> -> memref<10000x128xf32, #tpu.memory_space<hbm>>
      %dma_start3A_173 = arith.constant 0 : i32
      %dma_start3A_174 = tpu.memref_slice %dma_start3A_172[%mul3A_114, %dma_start3A_173] : memref<10000x128xf32, #tpu.memory_space<hbm>> -> memref<624x128xf32, #tpu.memory_space<hbm>>
      %dma_start3A_175 = arith.constant 0 : i32
      %dma_start3A_176 = tpu.memref_slice %arg15[%mul3A_114, %dma_start3A_175] : memref<10000x128xf32, #tpu.memory_space<vmem_shared>> -> memref<624x128xf32, #tpu.memory_space<vmem_shared>>
      tpu.enqueue_dma source(%dma_start3A_176 : memref<624x128xf32, #tpu.memory_space<vmem_shared>>) target(%dma_start3A_174 : memref<624x128xf32, #tpu.memory_space<hbm>>) target_semaphore(%run_scoped3A_170 : memref<!tpu.dma_semaphore, #tpu.memory_space<semaphore_mem>>)
      %dma_wait3A_177 = arith.constant 0 : i32
      %dma_wait3A_178 = tpu.memref_slice %arg5[%mul3A_112, %dma_wait3A_177] : memref<40000x128xf32, #tpu.memory_space<hbm>> -> memref<10000x128xf32, #tpu.memory_space<hbm>>
      %dma_wait3A_179 = arith.constant 0 : i32
      %dma_wait3A_180 = tpu.memref_slice %dma_wait3A_178[%mul3A_114, %dma_wait3A_179] : memref<10000x128xf32, #tpu.memory_space<hbm>> -> memref<624x128xf32, #tpu.memory_space<hbm>>
      %dma_wait3A_181 = arith.constant 0 : i32
      %dma_wait3A_182 = tpu.memref_slice %arg15[%mul3A_114, %dma_wait3A_181] : memref<10000x128xf32, #tpu.memory_space<vmem_shared>> -> memref<624x128xf32, #tpu.memory_space<vmem_shared>>
      tpu.wait_dma2 semaphore(%run_scoped3A_170 : memref<!tpu.dma_semaphore, #tpu.memory_space<semaphore_mem>>) src(%dma_wait3A_182 : memref<624x128xf32, #tpu.memory_space<vmem_shared>>) dst(%dma_wait3A_180 : memref<624x128xf32, #tpu.memory_space<hbm>>)
      tpu.yield
    }) : () -> ()
    %eq3A_115 = arith.constant 15 : i32
    %eq3A_116 = arith.cmpi eq, %arg1, %eq3A_115 : i32
    %convert_element_type3A_117 = arith.extui %eq3A_116 : i1 to i32
    %cond3A_118 = arith.constant 0 : i32
    %cond3A_119 = arith.cmpi ne, %convert_element_type3A_117, %cond3A_118 : i32
    scf.if %cond3A_119 {
      "tpu.region"() ({
        %run_scoped3A_170 = tpu.sem_alloc : memref<!tpu.dma_semaphore, #tpu.memory_space<semaphore_mem>>
        %dma_start3A_171 = arith.constant 0 : i32
        %dma_start3A_172 = tpu.memref_slice %arg5[%mul3A_112, %dma_start3A_171] : memref<40000x128xf32, #tpu.memory_space<hbm>> -> memref<10000x128xf32, #tpu.memory_space<hbm>>
        %dma_start3A_173 = arith.constant 9984 : i32
        %dma_start3A_174 = arith.constant 0 : i32
        %dma_start3A_175 = tpu.memref_slice %dma_start3A_172[%dma_start3A_173, %dma_start3A_174] : memref<10000x128xf32, #tpu.memory_space<hbm>> -> memref<16x128xf32, #tpu.memory_space<hbm>>
        %dma_start3A_176 = arith.constant 9984 : i32
        %dma_start3A_177 = arith.constant 0 : i32
        %dma_start3A_178 = tpu.memref_slice %arg15[%dma_start3A_176, %dma_start3A_177] : memref<10000x128xf32, #tpu.memory_space<vmem_shared>> -> memref<16x128xf32, #tpu.memory_space<vmem_shared>>
        tpu.enqueue_dma source(%dma_start3A_178 : memref<16x128xf32, #tpu.memory_space<vmem_shared>>) target(%dma_start3A_175 : memref<16x128xf32, #tpu.memory_space<hbm>>) target_semaphore(%run_scoped3A_170 : memref<!tpu.dma_semaphore, #tpu.memory_space<semaphore_mem>>)
        %dma_wait3A_179 = arith.constant 0 : i32
        %dma_wait3A_180 = tpu.memref_slice %arg5[%mul3A_112, %dma_wait3A_179] : memref<40000x128xf32, #tpu.memory_space<hbm>> -> memref<10000x128xf32, #tpu.memory_space<hbm>>
        %dma_wait3A_181 = arith.constant 9984 : i32
        %dma_wait3A_182 = arith.constant 0 : i32
        %dma_wait3A_183 = tpu.memref_slice %dma_wait3A_180[%dma_wait3A_181, %dma_wait3A_182] : memref<10000x128xf32, #tpu.memory_space<hbm>> -> memref<16x128xf32, #tpu.memory_space<hbm>>
        %dma_wait3A_184 = arith.constant 9984 : i32
        %dma_wait3A_185 = arith.constant 0 : i32
        %dma_wait3A_186 = tpu.memref_slice %arg15[%dma_wait3A_184, %dma_wait3A_185] : memref<10000x128xf32, #tpu.memory_space<vmem_shared>> -> memref<16x128xf32, #tpu.memory_space<vmem_shared>>
        tpu.wait_dma2 semaphore(%run_scoped3A_170 : memref<!tpu.dma_semaphore, #tpu.memory_space<semaphore_mem>>) src(%dma_wait3A_186 : memref<16x128xf32, #tpu.memory_space<vmem_shared>>) dst(%dma_wait3A_183 : memref<16x128xf32, #tpu.memory_space<hbm>>)
        tpu.yield
      }) : () -> ()
    } else {
    }
    %mul3A_120 = arith.constant 624 : i32
    %mul3A_121 = arith.muli %arg1, %mul3A_120 : i32
    "tpu.region"() ({
      %run_scoped3A_170 = tpu.sem_alloc : memref<!tpu.dma_semaphore, #tpu.memory_space<semaphore_mem>>
      %dma_start3A_171 = arith.constant 0 : i32
      %dma_start3A_172 = tpu.memref_slice %arg15[%mul3A_121, %dma_start3A_171] : memref<10000x128xf32, #tpu.memory_space<vmem_shared>> -> memref<624x128xf32, #tpu.memory_space<vmem_shared>>
      %dma_start3A_173 = arith.constant 0 : i32
      %dma_start3A_174 = tpu.memref_slice %arg4[%mul3A_121, %dma_start3A_173] : memref<10000x128xf32, #tpu.memory_space<hbm>> -> memref<624x128xf32, #tpu.memory_space<hbm>>
      tpu.enqueue_dma source(%dma_start3A_174 : memref<624x128xf32, #tpu.memory_space<hbm>>) target(%dma_start3A_172 : memref<624x128xf32, #tpu.memory_space<vmem_shared>>) target_semaphore(%run_scoped3A_170 : memref<!tpu.dma_semaphore, #tpu.memory_space<semaphore_mem>>)
      %dma_wait3A_175 = arith.constant 0 : i32
      %dma_wait3A_176 = tpu.memref_slice %arg15[%mul3A_121, %dma_wait3A_175] : memref<10000x128xf32, #tpu.memory_space<vmem_shared>> -> memref<624x128xf32, #tpu.memory_space<vmem_shared>>
      %dma_wait3A_177 = arith.constant 0 : i32
      %dma_wait3A_178 = tpu.memref_slice %arg4[%mul3A_121, %dma_wait3A_177] : memref<10000x128xf32, #tpu.memory_space<hbm>> -> memref<624x128xf32, #tpu.memory_space<hbm>>
      tpu.wait_dma2 semaphore(%run_scoped3A_170 : memref<!tpu.dma_semaphore, #tpu.memory_space<semaphore_mem>>) src(%dma_wait3A_178 : memref<624x128xf32, #tpu.memory_space<hbm>>) dst(%dma_wait3A_176 : memref<624x128xf32, #tpu.memory_space<vmem_shared>>)
      tpu.yield
    }) : () -> ()
    %eq3A_122 = arith.constant 15 : i32
    %eq3A_123 = arith.cmpi eq, %arg1, %eq3A_122 : i32
    %convert_element_type3A_124 = arith.extui %eq3A_123 : i1 to i32
    %cond3A_125 = arith.constant 0 : i32
    %cond3A_126 = arith.cmpi ne, %convert_element_type3A_124, %cond3A_125 : i32
    scf.if %cond3A_126 {
      "tpu.region"() ({
        %run_scoped3A_170 = tpu.sem_alloc : memref<!tpu.dma_semaphore, #tpu.memory_space<semaphore_mem>>
        %dma_start3A_171 = arith.constant 9984 : i32
        %dma_start3A_172 = arith.constant 0 : i32
        %dma_start3A_173 = tpu.memref_slice %arg15[%dma_start3A_171, %dma_start3A_172] : memref<10000x128xf32, #tpu.memory_space<vmem_shared>> -> memref<16x128xf32, #tpu.memory_space<vmem_shared>>
        %dma_start3A_174 = arith.constant 9984 : i32
        %dma_start3A_175 = arith.constant 0 : i32
        %dma_start3A_176 = tpu.memref_slice %arg4[%dma_start3A_174, %dma_start3A_175] : memref<10000x128xf32, #tpu.memory_space<hbm>> -> memref<16x128xf32, #tpu.memory_space<hbm>>
        tpu.enqueue_dma source(%dma_start3A_176 : memref<16x128xf32, #tpu.memory_space<hbm>>) target(%dma_start3A_173 : memref<16x128xf32, #tpu.memory_space<vmem_shared>>) target_semaphore(%run_scoped3A_170 : memref<!tpu.dma_semaphore, #tpu.memory_space<semaphore_mem>>)
        %dma_wait3A_177 = arith.constant 9984 : i32
        %dma_wait3A_178 = arith.constant 0 : i32
        %dma_wait3A_179 = tpu.memref_slice %arg15[%dma_wait3A_177, %dma_wait3A_178] : memref<10000x128xf32, #tpu.memory_space<vmem_shared>> -> memref<16x128xf32, #tpu.memory_space<vmem_shared>>
        %dma_wait3A_180 = arith.constant 9984 : i32
        %dma_wait3A_181 = arith.constant 0 : i32
        %dma_wait3A_182 = tpu.memref_slice %arg4[%dma_wait3A_180, %dma_wait3A_181] : memref<10000x128xf32, #tpu.memory_space<hbm>> -> memref<16x128xf32, #tpu.memory_space<hbm>>
        tpu.wait_dma2 semaphore(%run_scoped3A_170 : memref<!tpu.dma_semaphore, #tpu.memory_space<semaphore_mem>>) src(%dma_wait3A_182 : memref<16x128xf32, #tpu.memory_space<hbm>>) dst(%dma_wait3A_179 : memref<16x128xf32, #tpu.memory_space<vmem_shared>>)
        tpu.yield
      }) : () -> ()
    } else {
    }
    %barrier3A_127 = arith.constant 0 : index
    tpu.barrier barrier_id(%barrier3A_127)
    %mul3A_128 = arith.constant 2 : i32
    %mul3A_129 = arith.muli %arg0, %mul3A_128 : i32
    %add3A_130 = arith.constant 1 : i32
    %add3A_131 = arith.addi %mul3A_129, %add3A_130 : i32
    %mul3A_132 = arith.constant 2 : i32
    %mul3A_133 = arith.muli %arg0, %mul3A_132 : i32
    %add3A_134 = arith.constant 1 : i32
    %add3A_135 = arith.addi %mul3A_133, %add3A_134 : i32
    %mul3A_136 = arith.constant 16 : i32
    %mul3A_137 = arith.muli %add3A_135, %mul3A_136 : i32
    %add3A_138 = arith.addi %mul3A_137, %arg1 : i32
    %mul3A_139 = arith.constant 10000 : i32
    %mul3A_140 = arith.muli %add3A_138, %mul3A_139 : i32
    %scan3A_141 = arith.constant 0 : i32
    %scan3A_142 = arith.constant 0 : i32
    %scan3A_143 = arith.constant 16 : i32
    %scan3A_144 = arith.addi %scan3A_142, %scan3A_143 : i32
    %scan3A_145 = arith.constant 1 : i32
    scf.for %scan3A_170 = %scan3A_142 to %scan3A_144 step %scan3A_145  : i32 {
      %mul3A_171 = arith.constant 4 : i32
      %mul3A_172 = arith.muli %mul3A_171, %scan3A_170 : i32
      %add3A_173 = arith.constant 0 : i32
      %add3A_174 = arith.addi %add3A_173, %mul3A_172 : i32
      %dma_wait3A_175 = arith.constant 0 : i32
      %dma_wait3A_176 = arith.constant 0 : i32
      %dma_wait3A_177 = tpu.memref_slice %arg2[%dma_wait3A_175, %dma_wait3A_176] : memref<640000x128xf32, #tpu.memory_space<hbm>> -> memref<80x128xf32, #tpu.memory_space<hbm>>
      %dma_wait3A_178 = arith.constant 0 : i32
      %dma_wait3A_179 = arith.constant 0 : i32
      %dma_wait3A_180 = tpu.memref_slice %arg2[%dma_wait3A_178, %dma_wait3A_179] : memref<640000x128xf32, #tpu.memory_space<hbm>> -> memref<80x128xf32, #tpu.memory_space<hbm>>
      tpu.wait_dma2 semaphore(%arg11 : memref<!tpu.dma_semaphore, #tpu.memory_space<semaphore_mem>>) src(%dma_wait3A_180 : memref<80x128xf32, #tpu.memory_space<hbm>>) dst(%arg7 : memref<80x128xf32, #tpu.memory_space<vmem>>)
      %add3A_181 = arith.constant 0 : i32
      %add3A_182 = arith.addi %add3A_174, %add3A_181 : i32
      %sub3A = arith.constant 0 : i32
      %sub3A_183 = arith.subi %add3A_182, %sub3A : i32
      "tpu.region"() ({
        %run_scoped3A_249 = tpu.sem_alloc : memref<!tpu.dma_semaphore, #tpu.memory_space<semaphore_mem>>
        %dma_start3A_250 = arith.constant 0 : i32
        %dma_start3A_251 = tpu.memref_slice %arg6[%sub3A_183, %dma_start3A_250] : memref<64x80xi32, #tpu.memory_space<vmem>> -> memref<1x80xi32, #tpu.memory_space<vmem>>
        %dma_start3A_252 = tpu.memref_squeeze %dma_start3A_251 : memref<1x80xi32, #tpu.memory_space<vmem>> -> memref<80xi32, #tpu.memory_space<vmem>>
        %dma_start3A_253 = arith.constant 0 : i32
        %dma_start3A_254 = arith.constant 0 : i32
        %dma_start3A_255 = tpu.memref_slice %arg15[%dma_start3A_253, %dma_start3A_254] : memref<10000x128xf32, #tpu.memory_space<vmem_shared>> -> memref<10000x128xf32, #tpu.memory_space<vmem_shared>>
        tpu.enqueue_indirect_dma source(%arg7 : memref<80x128xf32, #tpu.memory_space<vmem>>) target(%dma_start3A_255 : memref<10000x128xf32, #tpu.memory_space<vmem_shared>>) offsets(%dma_start3A_252 : memref<80xi32, #tpu.memory_space<vmem>>) semaphore(%run_scoped3A_249 : memref<!tpu.dma_semaphore, #tpu.memory_space<semaphore_mem>>) {add = true}
        %dma_wait3A_256 = arith.constant 0 : i32
        %dma_wait3A_257 = tpu.memref_slice %arg6[%sub3A_183, %dma_wait3A_256] : memref<64x80xi32, #tpu.memory_space<vmem>> -> memref<1x80xi32, #tpu.memory_space<vmem>>
        %dma_wait3A_258 = tpu.memref_squeeze %dma_wait3A_257 : memref<1x80xi32, #tpu.memory_space<vmem>> -> memref<80xi32, #tpu.memory_space<vmem>>
        %dma_wait3A_259 = arith.constant 0 : i32
        %dma_wait3A_260 = arith.constant 0 : i32
        %dma_wait3A_261 = tpu.memref_slice %arg15[%dma_wait3A_259, %dma_wait3A_260] : memref<10000x128xf32, #tpu.memory_space<vmem_shared>> -> memref<10000x128xf32, #tpu.memory_space<vmem_shared>>
        tpu.wait_indirect_dma semaphore(%run_scoped3A_249 : memref<!tpu.dma_semaphore, #tpu.memory_space<semaphore_mem>>) src(%arg7 : memref<80x128xf32, #tpu.memory_space<vmem>>) dst(%dma_wait3A_261 : memref<10000x128xf32, #tpu.memory_space<vmem_shared>>)
        tpu.yield
      }) : () -> ()
      %add3A_184 = arith.constant 0 : i32
      %add3A_185 = arith.addi %add3A_174, %add3A_184 : i32
      %add3A_186 = arith.constant 4 : i32
      %add3A_187 = arith.addi %add3A_185, %add3A_186 : i32
      %lt3A = arith.constant 125 : i32
      %lt3A_188 = arith.cmpi slt, %add3A_187, %lt3A : i32
      %convert_element_type3A_189 = arith.extui %lt3A_188 : i1 to i32
      %cond3A_190 = arith.constant 0 : i32
      %cond3A_191 = arith.cmpi ne, %convert_element_type3A_189, %cond3A_190 : i32
      scf.if %cond3A_191 {
        %mul3A_249 = arith.constant 80 : i32
        %mul3A_250 = arith.muli %add3A_187, %mul3A_249 : i32
        %add3A_251 = arith.addi %mul3A_140, %mul3A_250 : i32
        %dma_start3A_252 = arith.constant 0 : i32
        %dma_start3A_253 = tpu.memref_slice %arg2[%add3A_251, %dma_start3A_252] : memref<640000x128xf32, #tpu.memory_space<hbm>> -> memref<80x128xf32, #tpu.memory_space<hbm>>
        %dma_start3A_254 = arith.constant 0 : i32
        %dma_start3A_255 = tpu.memref_slice %arg2[%add3A_251, %dma_start3A_254] : memref<640000x128xf32, #tpu.memory_space<hbm>> -> memref<80x128xf32, #tpu.memory_space<hbm>>
        tpu.enqueue_dma source(%dma_start3A_255 : memref<80x128xf32, #tpu.memory_space<hbm>>) target(%arg7 : memref<80x128xf32, #tpu.memory_space<vmem>>) target_semaphore(%arg11 : memref<!tpu.dma_semaphore, #tpu.memory_space<semaphore_mem>>)
      } else {
      }
      %dma_wait3A_192 = arith.constant 0 : i32
      %dma_wait3A_193 = arith.constant 0 : i32
      %dma_wait3A_194 = tpu.memref_slice %arg2[%dma_wait3A_192, %dma_wait3A_193] : memref<640000x128xf32, #tpu.memory_space<hbm>> -> memref<80x128xf32, #tpu.memory_space<hbm>>
      %dma_wait3A_195 = arith.constant 0 : i32
      %dma_wait3A_196 = arith.constant 0 : i32
      %dma_wait3A_197 = tpu.memref_slice %arg2[%dma_wait3A_195, %dma_wait3A_196] : memref<640000x128xf32, #tpu.memory_space<hbm>> -> memref<80x128xf32, #tpu.memory_space<hbm>>
      tpu.wait_dma2 semaphore(%arg12 : memref<!tpu.dma_semaphore, #tpu.memory_space<semaphore_mem>>) src(%dma_wait3A_197 : memref<80x128xf32, #tpu.memory_space<hbm>>) dst(%arg8 : memref<80x128xf32, #tpu.memory_space<vmem>>)
      %add3A_198 = arith.constant 1 : i32
      %add3A_199 = arith.addi %add3A_174, %add3A_198 : i32
      %sub3A_200 = arith.constant 0 : i32
      %sub3A_201 = arith.subi %add3A_199, %sub3A_200 : i32
      "tpu.region"() ({
        %run_scoped3A_249 = tpu.sem_alloc : memref<!tpu.dma_semaphore, #tpu.memory_space<semaphore_mem>>
        %dma_start3A_250 = arith.constant 0 : i32
        %dma_start3A_251 = tpu.memref_slice %arg6[%sub3A_201, %dma_start3A_250] : memref<64x80xi32, #tpu.memory_space<vmem>> -> memref<1x80xi32, #tpu.memory_space<vmem>>
        %dma_start3A_252 = tpu.memref_squeeze %dma_start3A_251 : memref<1x80xi32, #tpu.memory_space<vmem>> -> memref<80xi32, #tpu.memory_space<vmem>>
        %dma_start3A_253 = arith.constant 0 : i32
        %dma_start3A_254 = arith.constant 0 : i32
        %dma_start3A_255 = tpu.memref_slice %arg15[%dma_start3A_253, %dma_start3A_254] : memref<10000x128xf32, #tpu.memory_space<vmem_shared>> -> memref<10000x128xf32, #tpu.memory_space<vmem_shared>>
        tpu.enqueue_indirect_dma source(%arg8 : memref<80x128xf32, #tpu.memory_space<vmem>>) target(%dma_start3A_255 : memref<10000x128xf32, #tpu.memory_space<vmem_shared>>) offsets(%dma_start3A_252 : memref<80xi32, #tpu.memory_space<vmem>>) semaphore(%run_scoped3A_249 : memref<!tpu.dma_semaphore, #tpu.memory_space<semaphore_mem>>) {add = true}
        %dma_wait3A_256 = arith.constant 0 : i32
        %dma_wait3A_257 = tpu.memref_slice %arg6[%sub3A_201, %dma_wait3A_256] : memref<64x80xi32, #tpu.memory_space<vmem>> -> memref<1x80xi32, #tpu.memory_space<vmem>>
        %dma_wait3A_258 = tpu.memref_squeeze %dma_wait3A_257 : memref<1x80xi32, #tpu.memory_space<vmem>> -> memref<80xi32, #tpu.memory_space<vmem>>
        %dma_wait3A_259 = arith.constant 0 : i32
        %dma_wait3A_260 = arith.constant 0 : i32
        %dma_wait3A_261 = tpu.memref_slice %arg15[%dma_wait3A_259, %dma_wait3A_260] : memref<10000x128xf32, #tpu.memory_space<vmem_shared>> -> memref<10000x128xf32, #tpu.memory_space<vmem_shared>>
        tpu.wait_indirect_dma semaphore(%run_scoped3A_249 : memref<!tpu.dma_semaphore, #tpu.memory_space<semaphore_mem>>) src(%arg8 : memref<80x128xf32, #tpu.memory_space<vmem>>) dst(%dma_wait3A_261 : memref<10000x128xf32, #tpu.memory_space<vmem_shared>>)
        tpu.yield
      }) : () -> ()
      %add3A_202 = arith.constant 1 : i32
      %add3A_203 = arith.addi %add3A_174, %add3A_202 : i32
      %add3A_204 = arith.constant 4 : i32
      %add3A_205 = arith.addi %add3A_203, %add3A_204 : i32
      %lt3A_206 = arith.constant 125 : i32
      %lt3A_207 = arith.cmpi slt, %add3A_205, %lt3A_206 : i32
      %convert_element_type3A_208 = arith.extui %lt3A_207 : i1 to i32
      %cond3A_209 = arith.constant 0 : i32
      %cond3A_210 = arith.cmpi ne, %convert_element_type3A_208, %cond3A_209 : i32
      scf.if %cond3A_210 {
        %mul3A_249 = arith.constant 80 : i32
        %mul3A_250 = arith.muli %add3A_205, %mul3A_249 : i32
        %add3A_251 = arith.addi %mul3A_140, %mul3A_250 : i32
        %dma_start3A_252 = arith.constant 0 : i32
        %dma_start3A_253 = tpu.memref_slice %arg2[%add3A_251, %dma_start3A_252] : memref<640000x128xf32, #tpu.memory_space<hbm>> -> memref<80x128xf32, #tpu.memory_space<hbm>>
        %dma_start3A_254 = arith.constant 0 : i32
        %dma_start3A_255 = tpu.memref_slice %arg2[%add3A_251, %dma_start3A_254] : memref<640000x128xf32, #tpu.memory_space<hbm>> -> memref<80x128xf32, #tpu.memory_space<hbm>>
        tpu.enqueue_dma source(%dma_start3A_255 : memref<80x128xf32, #tpu.memory_space<hbm>>) target(%arg8 : memref<80x128xf32, #tpu.memory_space<vmem>>) target_semaphore(%arg12 : memref<!tpu.dma_semaphore, #tpu.memory_space<semaphore_mem>>)
      } else {
      }
      %dma_wait3A_211 = arith.constant 0 : i32
      %dma_wait3A_212 = arith.constant 0 : i32
      %dma_wait3A_213 = tpu.memref_slice %arg2[%dma_wait3A_211, %dma_wait3A_212] : memref<640000x128xf32, #tpu.memory_space<hbm>> -> memref<80x128xf32, #tpu.memory_space<hbm>>
      %dma_wait3A_214 = arith.constant 0 : i32
      %dma_wait3A_215 = arith.constant 0 : i32
      %dma_wait3A_216 = tpu.memref_slice %arg2[%dma_wait3A_214, %dma_wait3A_215] : memref<640000x128xf32, #tpu.memory_space<hbm>> -> memref<80x128xf32, #tpu.memory_space<hbm>>
      tpu.wait_dma2 semaphore(%arg13 : memref<!tpu.dma_semaphore, #tpu.memory_space<semaphore_mem>>) src(%dma_wait3A_216 : memref<80x128xf32, #tpu.memory_space<hbm>>) dst(%arg9 : memref<80x128xf32, #tpu.memory_space<vmem>>)
      %add3A_217 = arith.constant 2 : i32
      %add3A_218 = arith.addi %add3A_174, %add3A_217 : i32
      %sub3A_219 = arith.constant 0 : i32
      %sub3A_220 = arith.subi %add3A_218, %sub3A_219 : i32
      "tpu.region"() ({
        %run_scoped3A_249 = tpu.sem_alloc : memref<!tpu.dma_semaphore, #tpu.memory_space<semaphore_mem>>
        %dma_start3A_250 = arith.constant 0 : i32
        %dma_start3A_251 = tpu.memref_slice %arg6[%sub3A_220, %dma_start3A_250] : memref<64x80xi32, #tpu.memory_space<vmem>> -> memref<1x80xi32, #tpu.memory_space<vmem>>
        %dma_start3A_252 = tpu.memref_squeeze %dma_start3A_251 : memref<1x80xi32, #tpu.memory_space<vmem>> -> memref<80xi32, #tpu.memory_space<vmem>>
        %dma_start3A_253 = arith.constant 0 : i32
        %dma_start3A_254 = arith.constant 0 : i32
        %dma_start3A_255 = tpu.memref_slice %arg15[%dma_start3A_253, %dma_start3A_254] : memref<10000x128xf32, #tpu.memory_space<vmem_shared>> -> memref<10000x128xf32, #tpu.memory_space<vmem_shared>>
        tpu.enqueue_indirect_dma source(%arg9 : memref<80x128xf32, #tpu.memory_space<vmem>>) target(%dma_start3A_255 : memref<10000x128xf32, #tpu.memory_space<vmem_shared>>) offsets(%dma_start3A_252 : memref<80xi32, #tpu.memory_space<vmem>>) semaphore(%run_scoped3A_249 : memref<!tpu.dma_semaphore, #tpu.memory_space<semaphore_mem>>) {add = true}
        %dma_wait3A_256 = arith.constant 0 : i32
        %dma_wait3A_257 = tpu.memref_slice %arg6[%sub3A_220, %dma_wait3A_256] : memref<64x80xi32, #tpu.memory_space<vmem>> -> memref<1x80xi32, #tpu.memory_space<vmem>>
        %dma_wait3A_258 = tpu.memref_squeeze %dma_wait3A_257 : memref<1x80xi32, #tpu.memory_space<vmem>> -> memref<80xi32, #tpu.memory_space<vmem>>
        %dma_wait3A_259 = arith.constant 0 : i32
        %dma_wait3A_260 = arith.constant 0 : i32
        %dma_wait3A_261 = tpu.memref_slice %arg15[%dma_wait3A_259, %dma_wait3A_260] : memref<10000x128xf32, #tpu.memory_space<vmem_shared>> -> memref<10000x128xf32, #tpu.memory_space<vmem_shared>>
        tpu.wait_indirect_dma semaphore(%run_scoped3A_249 : memref<!tpu.dma_semaphore, #tpu.memory_space<semaphore_mem>>) src(%arg9 : memref<80x128xf32, #tpu.memory_space<vmem>>) dst(%dma_wait3A_261 : memref<10000x128xf32, #tpu.memory_space<vmem_shared>>)
        tpu.yield
      }) : () -> ()
      %add3A_221 = arith.constant 2 : i32
      %add3A_222 = arith.addi %add3A_174, %add3A_221 : i32
      %add3A_223 = arith.constant 4 : i32
      %add3A_224 = arith.addi %add3A_222, %add3A_223 : i32
      %lt3A_225 = arith.constant 125 : i32
      %lt3A_226 = arith.cmpi slt, %add3A_224, %lt3A_225 : i32
      %convert_element_type3A_227 = arith.extui %lt3A_226 : i1 to i32
      %cond3A_228 = arith.constant 0 : i32
      %cond3A_229 = arith.cmpi ne, %convert_element_type3A_227, %cond3A_228 : i32
      scf.if %cond3A_229 {
        %mul3A_249 = arith.constant 80 : i32
        %mul3A_250 = arith.muli %add3A_224, %mul3A_249 : i32
        %add3A_251 = arith.addi %mul3A_140, %mul3A_250 : i32
        %dma_start3A_252 = arith.constant 0 : i32
        %dma_start3A_253 = tpu.memref_slice %arg2[%add3A_251, %dma_start3A_252] : memref<640000x128xf32, #tpu.memory_space<hbm>> -> memref<80x128xf32, #tpu.memory_space<hbm>>
        %dma_start3A_254 = arith.constant 0 : i32
        %dma_start3A_255 = tpu.memref_slice %arg2[%add3A_251, %dma_start3A_254] : memref<640000x128xf32, #tpu.memory_space<hbm>> -> memref<80x128xf32, #tpu.memory_space<hbm>>
        tpu.enqueue_dma source(%dma_start3A_255 : memref<80x128xf32, #tpu.memory_space<hbm>>) target(%arg9 : memref<80x128xf32, #tpu.memory_space<vmem>>) target_semaphore(%arg13 : memref<!tpu.dma_semaphore, #tpu.memory_space<semaphore_mem>>)
      } else {
      }
      %dma_wait3A_230 = arith.constant 0 : i32
      %dma_wait3A_231 = arith.constant 0 : i32
      %dma_wait3A_232 = tpu.memref_slice %arg2[%dma_wait3A_230, %dma_wait3A_231] : memref<640000x128xf32, #tpu.memory_space<hbm>> -> memref<80x128xf32, #tpu.memory_space<hbm>>
      %dma_wait3A_233 = arith.constant 0 : i32
      %dma_wait3A_234 = arith.constant 0 : i32
      %dma_wait3A_235 = tpu.memref_slice %arg2[%dma_wait3A_233, %dma_wait3A_234] : memref<640000x128xf32, #tpu.memory_space<hbm>> -> memref<80x128xf32, #tpu.memory_space<hbm>>
      tpu.wait_dma2 semaphore(%arg14 : memref<!tpu.dma_semaphore, #tpu.memory_space<semaphore_mem>>) src(%dma_wait3A_235 : memref<80x128xf32, #tpu.memory_space<hbm>>) dst(%arg10 : memref<80x128xf32, #tpu.memory_space<vmem>>)
      %add3A_236 = arith.constant 3 : i32
      %add3A_237 = arith.addi %add3A_174, %add3A_236 : i32
      %sub3A_238 = arith.constant 0 : i32
      %sub3A_239 = arith.subi %add3A_237, %sub3A_238 : i32
      "tpu.region"() ({
        %run_scoped3A_249 = tpu.sem_alloc : memref<!tpu.dma_semaphore, #tpu.memory_space<semaphore_mem>>
        %dma_start3A_250 = arith.constant 0 : i32
        %dma_start3A_251 = tpu.memref_slice %arg6[%sub3A_239, %dma_start3A_250] : memref<64x80xi32, #tpu.memory_space<vmem>> -> memref<1x80xi32, #tpu.memory_space<vmem>>
        %dma_start3A_252 = tpu.memref_squeeze %dma_start3A_251 : memref<1x80xi32, #tpu.memory_space<vmem>> -> memref<80xi32, #tpu.memory_space<vmem>>
        %dma_start3A_253 = arith.constant 0 : i32
        %dma_start3A_254 = arith.constant 0 : i32
        %dma_start3A_255 = tpu.memref_slice %arg15[%dma_start3A_253, %dma_start3A_254] : memref<10000x128xf32, #tpu.memory_space<vmem_shared>> -> memref<10000x128xf32, #tpu.memory_space<vmem_shared>>
        tpu.enqueue_indirect_dma source(%arg10 : memref<80x128xf32, #tpu.memory_space<vmem>>) target(%dma_start3A_255 : memref<10000x128xf32, #tpu.memory_space<vmem_shared>>) offsets(%dma_start3A_252 : memref<80xi32, #tpu.memory_space<vmem>>) semaphore(%run_scoped3A_249 : memref<!tpu.dma_semaphore, #tpu.memory_space<semaphore_mem>>) {add = true}
        %dma_wait3A_256 = arith.constant 0 : i32
        %dma_wait3A_257 = tpu.memref_slice %arg6[%sub3A_239, %dma_wait3A_256] : memref<64x80xi32, #tpu.memory_space<vmem>> -> memref<1x80xi32, #tpu.memory_space<vmem>>
        %dma_wait3A_258 = tpu.memref_squeeze %dma_wait3A_257 : memref<1x80xi32, #tpu.memory_space<vmem>> -> memref<80xi32, #tpu.memory_space<vmem>>
        %dma_wait3A_259 = arith.constant 0 : i32
        %dma_wait3A_260 = arith.constant 0 : i32
        %dma_wait3A_261 = tpu.memref_slice %arg15[%dma_wait3A_259, %dma_wait3A_260] : memref<10000x128xf32, #tpu.memory_space<vmem_shared>> -> memref<10000x128xf32, #tpu.memory_space<vmem_shared>>
        tpu.wait_indirect_dma semaphore(%run_scoped3A_249 : memref<!tpu.dma_semaphore, #tpu.memory_space<semaphore_mem>>) src(%arg10 : memref<80x128xf32, #tpu.memory_space<vmem>>) dst(%dma_wait3A_261 : memref<10000x128xf32, #tpu.memory_space<vmem_shared>>)
        tpu.yield
      }) : () -> ()
      %add3A_240 = arith.constant 3 : i32
      %add3A_241 = arith.addi %add3A_174, %add3A_240 : i32
      %add3A_242 = arith.constant 4 : i32
      %add3A_243 = arith.addi %add3A_241, %add3A_242 : i32
      %lt3A_244 = arith.constant 125 : i32
      %lt3A_245 = arith.cmpi slt, %add3A_243, %lt3A_244 : i32
      %convert_element_type3A_246 = arith.extui %lt3A_245 : i1 to i32
      %cond3A_247 = arith.constant 0 : i32
      %cond3A_248 = arith.cmpi ne, %convert_element_type3A_246, %cond3A_247 : i32
      scf.if %cond3A_248 {
        %mul3A_249 = arith.constant 80 : i32
        %mul3A_250 = arith.muli %add3A_243, %mul3A_249 : i32
        %add3A_251 = arith.addi %mul3A_140, %mul3A_250 : i32
        %dma_start3A_252 = arith.constant 0 : i32
        %dma_start3A_253 = tpu.memref_slice %arg2[%add3A_251, %dma_start3A_252] : memref<640000x128xf32, #tpu.memory_space<hbm>> -> memref<80x128xf32, #tpu.memory_space<hbm>>
        %dma_start3A_254 = arith.constant 0 : i32
        %dma_start3A_255 = tpu.memref_slice %arg2[%add3A_251, %dma_start3A_254] : memref<640000x128xf32, #tpu.memory_space<hbm>> -> memref<80x128xf32, #tpu.memory_space<hbm>>
        tpu.enqueue_dma source(%dma_start3A_255 : memref<80x128xf32, #tpu.memory_space<hbm>>) target(%arg10 : memref<80x128xf32, #tpu.memory_space<vmem>>) target_semaphore(%arg14 : memref<!tpu.dma_semaphore, #tpu.memory_space<semaphore_mem>>)
      } else {
      }
    }
    %scan3A_146 = arith.constant 16 : i32
    "tpu.region"() ({
      %run_scoped3A_170 = tpu.sem_alloc : memref<!tpu.dma_semaphore, #tpu.memory_space<semaphore_mem>>
      %dma_start3A_171 = arith.constant 0 : i32
      %dma_start3A_172 = arith.constant 0 : i32
      %dma_start3A_173 = tpu.memref_slice %arg6[%dma_start3A_171, %dma_start3A_172] : memref<64x80xi32, #tpu.memory_space<vmem>> -> memref<61x80xi32, #tpu.memory_space<vmem>>
      %dma_start3A_174 = arith.constant 64 : i32
      %dma_start3A_175 = arith.constant 0 : i32
      %dma_start3A_176 = tpu.memref_slice %arg3[%add3A_138, %dma_start3A_174, %dma_start3A_175] : memref<64x125x80xi32, #tpu.memory_space<hbm>> -> memref<1x61x80xi32, #tpu.memory_space<hbm>>
      %dma_start3A_177 = tpu.memref_squeeze %dma_start3A_176 : memref<1x61x80xi32, #tpu.memory_space<hbm>> -> memref<61x80xi32, #tpu.memory_space<hbm>>
      %dma_start3A_178 = arith.constant 0 : i32
      %dma_start3A_179 = arith.constant 0 : i32
      %dma_start3A_180 = tpu.memref_slice %arg6[%dma_start3A_178, %dma_start3A_179] : memref<64x80xi32, #tpu.memory_space<vmem>> -> memref<61x80xi32, #tpu.memory_space<vmem>>
      %dma_start3A_181 = arith.constant 64 : i32
      %dma_start3A_182 = arith.constant 0 : i32
      %dma_start3A_183 = tpu.memref_slice %arg3[%add3A_138, %dma_start3A_181, %dma_start3A_182] : memref<64x125x80xi32, #tpu.memory_space<hbm>> -> memref<1x61x80xi32, #tpu.memory_space<hbm>>
      %dma_start3A_184 = tpu.memref_squeeze %dma_start3A_183 : memref<1x61x80xi32, #tpu.memory_space<hbm>> -> memref<61x80xi32, #tpu.memory_space<hbm>>
      tpu.enqueue_dma source(%dma_start3A_184 : memref<61x80xi32, #tpu.memory_space<hbm>>) target(%dma_start3A_180 : memref<61x80xi32, #tpu.memory_space<vmem>>) target_semaphore(%run_scoped3A_170 : memref<!tpu.dma_semaphore, #tpu.memory_space<semaphore_mem>>)
      %dma_wait3A_185 = arith.constant 0 : i32
      %dma_wait3A_186 = arith.constant 0 : i32
      %dma_wait3A_187 = tpu.memref_slice %arg6[%dma_wait3A_185, %dma_wait3A_186] : memref<64x80xi32, #tpu.memory_space<vmem>> -> memref<61x80xi32, #tpu.memory_space<vmem>>
      %dma_wait3A_188 = arith.constant 64 : i32
      %dma_wait3A_189 = arith.constant 0 : i32
      %dma_wait3A_190 = tpu.memref_slice %arg3[%add3A_138, %dma_wait3A_188, %dma_wait3A_189] : memref<64x125x80xi32, #tpu.memory_space<hbm>> -> memref<1x61x80xi32, #tpu.memory_space<hbm>>
      %dma_wait3A_191 = tpu.memref_squeeze %dma_wait3A_190 : memref<1x61x80xi32, #tpu.memory_space<hbm>> -> memref<61x80xi32, #tpu.memory_space<hbm>>
      %dma_wait3A_192 = arith.constant 0 : i32
      %dma_wait3A_193 = arith.constant 0 : i32
      %dma_wait3A_194 = tpu.memref_slice %arg6[%dma_wait3A_192, %dma_wait3A_193] : memref<64x80xi32, #tpu.memory_space<vmem>> -> memref<61x80xi32, #tpu.memory_space<vmem>>
      %dma_wait3A_195 = arith.constant 64 : i32
      %dma_wait3A_196 = arith.constant 0 : i32
      %dma_wait3A_197 = tpu.memref_slice %arg3[%add3A_138, %dma_wait3A_195, %dma_wait3A_196] : memref<64x125x80xi32, #tpu.memory_space<hbm>> -> memref<1x61x80xi32, #tpu.memory_space<hbm>>
      %dma_wait3A_198 = tpu.memref_squeeze %dma_wait3A_197 : memref<1x61x80xi32, #tpu.memory_space<hbm>> -> memref<61x80xi32, #tpu.memory_space<hbm>>
      tpu.wait_dma2 semaphore(%run_scoped3A_170 : memref<!tpu.dma_semaphore, #tpu.memory_space<semaphore_mem>>) src(%dma_wait3A_198 : memref<61x80xi32, #tpu.memory_space<hbm>>) dst(%dma_wait3A_194 : memref<61x80xi32, #tpu.memory_space<vmem>>)
      tpu.yield
    }) : () -> ()
    %scan3A_147 = arith.constant 0 : i32
    %scan3A_148 = arith.constant 0 : i32
    %scan3A_149 = arith.constant 15 : i32
    %scan3A_150 = arith.addi %scan3A_148, %scan3A_149 : i32
    %scan3A_151 = arith.constant 1 : i32
    scf.for %scan3A_170 = %scan3A_148 to %scan3A_150 step %scan3A_151  : i32 {
      %mul3A_171 = arith.constant 4 : i32
      %mul3A_172 = arith.muli %mul3A_171, %scan3A_170 : i32
      %add3A_173 = arith.constant 64 : i32
      %add3A_174 = arith.addi %add3A_173, %mul3A_172 : i32
      %dma_wait3A_175 = arith.constant 0 : i32
      %dma_wait3A_176 = arith.constant 0 : i32
      %dma_wait3A_177 = tpu.memref_slice %arg2[%dma_wait3A_175, %dma_wait3A_176] : memref<640000x128xf32, #tpu.memory_space<hbm>> -> memref<80x128xf32, #tpu.memory_space<hbm>>
      %dma_wait3A_178 = arith.constant 0 : i32
      %dma_wait3A_179 = arith.constant 0 : i32
      %dma_wait3A_180 = tpu.memref_slice %arg2[%dma_wait3A_178, %dma_wait3A_179] : memref<640000x128xf32, #tpu.memory_space<hbm>> -> memref<80x128xf32, #tpu.memory_space<hbm>>
      tpu.wait_dma2 semaphore(%arg11 : memref<!tpu.dma_semaphore, #tpu.memory_space<semaphore_mem>>) src(%dma_wait3A_180 : memref<80x128xf32, #tpu.memory_space<hbm>>) dst(%arg7 : memref<80x128xf32, #tpu.memory_space<vmem>>)
      %add3A_181 = arith.constant 0 : i32
      %add3A_182 = arith.addi %add3A_174, %add3A_181 : i32
      %sub3A = arith.constant 64 : i32
      %sub3A_183 = arith.subi %add3A_182, %sub3A : i32
      "tpu.region"() ({
        %run_scoped3A_249 = tpu.sem_alloc : memref<!tpu.dma_semaphore, #tpu.memory_space<semaphore_mem>>
        %dma_start3A_250 = arith.constant 0 : i32
        %dma_start3A_251 = tpu.memref_slice %arg6[%sub3A_183, %dma_start3A_250] : memref<64x80xi32, #tpu.memory_space<vmem>> -> memref<1x80xi32, #tpu.memory_space<vmem>>
        %dma_start3A_252 = tpu.memref_squeeze %dma_start3A_251 : memref<1x80xi32, #tpu.memory_space<vmem>> -> memref<80xi32, #tpu.memory_space<vmem>>
        %dma_start3A_253 = arith.constant 0 : i32
        %dma_start3A_254 = arith.constant 0 : i32
        %dma_start3A_255 = tpu.memref_slice %arg15[%dma_start3A_253, %dma_start3A_254] : memref<10000x128xf32, #tpu.memory_space<vmem_shared>> -> memref<10000x128xf32, #tpu.memory_space<vmem_shared>>
        tpu.enqueue_indirect_dma source(%arg7 : memref<80x128xf32, #tpu.memory_space<vmem>>) target(%dma_start3A_255 : memref<10000x128xf32, #tpu.memory_space<vmem_shared>>) offsets(%dma_start3A_252 : memref<80xi32, #tpu.memory_space<vmem>>) semaphore(%run_scoped3A_249 : memref<!tpu.dma_semaphore, #tpu.memory_space<semaphore_mem>>) {add = true}
        %dma_wait3A_256 = arith.constant 0 : i32
        %dma_wait3A_257 = tpu.memref_slice %arg6[%sub3A_183, %dma_wait3A_256] : memref<64x80xi32, #tpu.memory_space<vmem>> -> memref<1x80xi32, #tpu.memory_space<vmem>>
        %dma_wait3A_258 = tpu.memref_squeeze %dma_wait3A_257 : memref<1x80xi32, #tpu.memory_space<vmem>> -> memref<80xi32, #tpu.memory_space<vmem>>
        %dma_wait3A_259 = arith.constant 0 : i32
        %dma_wait3A_260 = arith.constant 0 : i32
        %dma_wait3A_261 = tpu.memref_slice %arg15[%dma_wait3A_259, %dma_wait3A_260] : memref<10000x128xf32, #tpu.memory_space<vmem_shared>> -> memref<10000x128xf32, #tpu.memory_space<vmem_shared>>
        tpu.wait_indirect_dma semaphore(%run_scoped3A_249 : memref<!tpu.dma_semaphore, #tpu.memory_space<semaphore_mem>>) src(%arg7 : memref<80x128xf32, #tpu.memory_space<vmem>>) dst(%dma_wait3A_261 : memref<10000x128xf32, #tpu.memory_space<vmem_shared>>)
        tpu.yield
      }) : () -> ()
      %add3A_184 = arith.constant 0 : i32
      %add3A_185 = arith.addi %add3A_174, %add3A_184 : i32
      %add3A_186 = arith.constant 4 : i32
      %add3A_187 = arith.addi %add3A_185, %add3A_186 : i32
      %lt3A = arith.constant 125 : i32
      %lt3A_188 = arith.cmpi slt, %add3A_187, %lt3A : i32
      %convert_element_type3A_189 = arith.extui %lt3A_188 : i1 to i32
      %cond3A_190 = arith.constant 0 : i32
      %cond3A_191 = arith.cmpi ne, %convert_element_type3A_189, %cond3A_190 : i32
      scf.if %cond3A_191 {
        %mul3A_249 = arith.constant 80 : i32
        %mul3A_250 = arith.muli %add3A_187, %mul3A_249 : i32
        %add3A_251 = arith.addi %mul3A_140, %mul3A_250 : i32
        %dma_start3A_252 = arith.constant 0 : i32
        %dma_start3A_253 = tpu.memref_slice %arg2[%add3A_251, %dma_start3A_252] : memref<640000x128xf32, #tpu.memory_space<hbm>> -> memref<80x128xf32, #tpu.memory_space<hbm>>
        %dma_start3A_254 = arith.constant 0 : i32
        %dma_start3A_255 = tpu.memref_slice %arg2[%add3A_251, %dma_start3A_254] : memref<640000x128xf32, #tpu.memory_space<hbm>> -> memref<80x128xf32, #tpu.memory_space<hbm>>
        tpu.enqueue_dma source(%dma_start3A_255 : memref<80x128xf32, #tpu.memory_space<hbm>>) target(%arg7 : memref<80x128xf32, #tpu.memory_space<vmem>>) target_semaphore(%arg11 : memref<!tpu.dma_semaphore, #tpu.memory_space<semaphore_mem>>)
      } else {
      }
      %dma_wait3A_192 = arith.constant 0 : i32
      %dma_wait3A_193 = arith.constant 0 : i32
      %dma_wait3A_194 = tpu.memref_slice %arg2[%dma_wait3A_192, %dma_wait3A_193] : memref<640000x128xf32, #tpu.memory_space<hbm>> -> memref<80x128xf32, #tpu.memory_space<hbm>>
      %dma_wait3A_195 = arith.constant 0 : i32
      %dma_wait3A_196 = arith.constant 0 : i32
      %dma_wait3A_197 = tpu.memref_slice %arg2[%dma_wait3A_195, %dma_wait3A_196] : memref<640000x128xf32, #tpu.memory_space<hbm>> -> memref<80x128xf32, #tpu.memory_space<hbm>>
      tpu.wait_dma2 semaphore(%arg12 : memref<!tpu.dma_semaphore, #tpu.memory_space<semaphore_mem>>) src(%dma_wait3A_197 : memref<80x128xf32, #tpu.memory_space<hbm>>) dst(%arg8 : memref<80x128xf32, #tpu.memory_space<vmem>>)
      %add3A_198 = arith.constant 1 : i32
      %add3A_199 = arith.addi %add3A_174, %add3A_198 : i32
      %sub3A_200 = arith.constant 64 : i32
      %sub3A_201 = arith.subi %add3A_199, %sub3A_200 : i32
      "tpu.region"() ({
        %run_scoped3A_249 = tpu.sem_alloc : memref<!tpu.dma_semaphore, #tpu.memory_space<semaphore_mem>>
        %dma_start3A_250 = arith.constant 0 : i32
        %dma_start3A_251 = tpu.memref_slice %arg6[%sub3A_201, %dma_start3A_250] : memref<64x80xi32, #tpu.memory_space<vmem>> -> memref<1x80xi32, #tpu.memory_space<vmem>>
        %dma_start3A_252 = tpu.memref_squeeze %dma_start3A_251 : memref<1x80xi32, #tpu.memory_space<vmem>> -> memref<80xi32, #tpu.memory_space<vmem>>
        %dma_start3A_253 = arith.constant 0 : i32
        %dma_start3A_254 = arith.constant 0 : i32
        %dma_start3A_255 = tpu.memref_slice %arg15[%dma_start3A_253, %dma_start3A_254] : memref<10000x128xf32, #tpu.memory_space<vmem_shared>> -> memref<10000x128xf32, #tpu.memory_space<vmem_shared>>
        tpu.enqueue_indirect_dma source(%arg8 : memref<80x128xf32, #tpu.memory_space<vmem>>) target(%dma_start3A_255 : memref<10000x128xf32, #tpu.memory_space<vmem_shared>>) offsets(%dma_start3A_252 : memref<80xi32, #tpu.memory_space<vmem>>) semaphore(%run_scoped3A_249 : memref<!tpu.dma_semaphore, #tpu.memory_space<semaphore_mem>>) {add = true}
        %dma_wait3A_256 = arith.constant 0 : i32
        %dma_wait3A_257 = tpu.memref_slice %arg6[%sub3A_201, %dma_wait3A_256] : memref<64x80xi32, #tpu.memory_space<vmem>> -> memref<1x80xi32, #tpu.memory_space<vmem>>
        %dma_wait3A_258 = tpu.memref_squeeze %dma_wait3A_257 : memref<1x80xi32, #tpu.memory_space<vmem>> -> memref<80xi32, #tpu.memory_space<vmem>>
        %dma_wait3A_259 = arith.constant 0 : i32
        %dma_wait3A_260 = arith.constant 0 : i32
        %dma_wait3A_261 = tpu.memref_slice %arg15[%dma_wait3A_259, %dma_wait3A_260] : memref<10000x128xf32, #tpu.memory_space<vmem_shared>> -> memref<10000x128xf32, #tpu.memory_space<vmem_shared>>
        tpu.wait_indirect_dma semaphore(%run_scoped3A_249 : memref<!tpu.dma_semaphore, #tpu.memory_space<semaphore_mem>>) src(%arg8 : memref<80x128xf32, #tpu.memory_space<vmem>>) dst(%dma_wait3A_261 : memref<10000x128xf32, #tpu.memory_space<vmem_shared>>)
        tpu.yield
      }) : () -> ()
      %add3A_202 = arith.constant 1 : i32
      %add3A_203 = arith.addi %add3A_174, %add3A_202 : i32
      %add3A_204 = arith.constant 4 : i32
      %add3A_205 = arith.addi %add3A_203, %add3A_204 : i32
      %lt3A_206 = arith.constant 125 : i32
      %lt3A_207 = arith.cmpi slt, %add3A_205, %lt3A_206 : i32
      %convert_element_type3A_208 = arith.extui %lt3A_207 : i1 to i32
      %cond3A_209 = arith.constant 0 : i32
      %cond3A_210 = arith.cmpi ne, %convert_element_type3A_208, %cond3A_209 : i32
      scf.if %cond3A_210 {
        %mul3A_249 = arith.constant 80 : i32
        %mul3A_250 = arith.muli %add3A_205, %mul3A_249 : i32
        %add3A_251 = arith.addi %mul3A_140, %mul3A_250 : i32
        %dma_start3A_252 = arith.constant 0 : i32
        %dma_start3A_253 = tpu.memref_slice %arg2[%add3A_251, %dma_start3A_252] : memref<640000x128xf32, #tpu.memory_space<hbm>> -> memref<80x128xf32, #tpu.memory_space<hbm>>
        %dma_start3A_254 = arith.constant 0 : i32
        %dma_start3A_255 = tpu.memref_slice %arg2[%add3A_251, %dma_start3A_254] : memref<640000x128xf32, #tpu.memory_space<hbm>> -> memref<80x128xf32, #tpu.memory_space<hbm>>
        tpu.enqueue_dma source(%dma_start3A_255 : memref<80x128xf32, #tpu.memory_space<hbm>>) target(%arg8 : memref<80x128xf32, #tpu.memory_space<vmem>>) target_semaphore(%arg12 : memref<!tpu.dma_semaphore, #tpu.memory_space<semaphore_mem>>)
      } else {
      }
      %dma_wait3A_211 = arith.constant 0 : i32
      %dma_wait3A_212 = arith.constant 0 : i32
      %dma_wait3A_213 = tpu.memref_slice %arg2[%dma_wait3A_211, %dma_wait3A_212] : memref<640000x128xf32, #tpu.memory_space<hbm>> -> memref<80x128xf32, #tpu.memory_space<hbm>>
      %dma_wait3A_214 = arith.constant 0 : i32
      %dma_wait3A_215 = arith.constant 0 : i32
      %dma_wait3A_216 = tpu.memref_slice %arg2[%dma_wait3A_214, %dma_wait3A_215] : memref<640000x128xf32, #tpu.memory_space<hbm>> -> memref<80x128xf32, #tpu.memory_space<hbm>>
      tpu.wait_dma2 semaphore(%arg13 : memref<!tpu.dma_semaphore, #tpu.memory_space<semaphore_mem>>) src(%dma_wait3A_216 : memref<80x128xf32, #tpu.memory_space<hbm>>) dst(%arg9 : memref<80x128xf32, #tpu.memory_space<vmem>>)
      %add3A_217 = arith.constant 2 : i32
      %add3A_218 = arith.addi %add3A_174, %add3A_217 : i32
      %sub3A_219 = arith.constant 64 : i32
      %sub3A_220 = arith.subi %add3A_218, %sub3A_219 : i32
      "tpu.region"() ({
        %run_scoped3A_249 = tpu.sem_alloc : memref<!tpu.dma_semaphore, #tpu.memory_space<semaphore_mem>>
        %dma_start3A_250 = arith.constant 0 : i32
        %dma_start3A_251 = tpu.memref_slice %arg6[%sub3A_220, %dma_start3A_250] : memref<64x80xi32, #tpu.memory_space<vmem>> -> memref<1x80xi32, #tpu.memory_space<vmem>>
        %dma_start3A_252 = tpu.memref_squeeze %dma_start3A_251 : memref<1x80xi32, #tpu.memory_space<vmem>> -> memref<80xi32, #tpu.memory_space<vmem>>
        %dma_start3A_253 = arith.constant 0 : i32
        %dma_start3A_254 = arith.constant 0 : i32
        %dma_start3A_255 = tpu.memref_slice %arg15[%dma_start3A_253, %dma_start3A_254] : memref<10000x128xf32, #tpu.memory_space<vmem_shared>> -> memref<10000x128xf32, #tpu.memory_space<vmem_shared>>
        tpu.enqueue_indirect_dma source(%arg9 : memref<80x128xf32, #tpu.memory_space<vmem>>) target(%dma_start3A_255 : memref<10000x128xf32, #tpu.memory_space<vmem_shared>>) offsets(%dma_start3A_252 : memref<80xi32, #tpu.memory_space<vmem>>) semaphore(%run_scoped3A_249 : memref<!tpu.dma_semaphore, #tpu.memory_space<semaphore_mem>>) {add = true}
        %dma_wait3A_256 = arith.constant 0 : i32
        %dma_wait3A_257 = tpu.memref_slice %arg6[%sub3A_220, %dma_wait3A_256] : memref<64x80xi32, #tpu.memory_space<vmem>> -> memref<1x80xi32, #tpu.memory_space<vmem>>
        %dma_wait3A_258 = tpu.memref_squeeze %dma_wait3A_257 : memref<1x80xi32, #tpu.memory_space<vmem>> -> memref<80xi32, #tpu.memory_space<vmem>>
        %dma_wait3A_259 = arith.constant 0 : i32
        %dma_wait3A_260 = arith.constant 0 : i32
        %dma_wait3A_261 = tpu.memref_slice %arg15[%dma_wait3A_259, %dma_wait3A_260] : memref<10000x128xf32, #tpu.memory_space<vmem_shared>> -> memref<10000x128xf32, #tpu.memory_space<vmem_shared>>
        tpu.wait_indirect_dma semaphore(%run_scoped3A_249 : memref<!tpu.dma_semaphore, #tpu.memory_space<semaphore_mem>>) src(%arg9 : memref<80x128xf32, #tpu.memory_space<vmem>>) dst(%dma_wait3A_261 : memref<10000x128xf32, #tpu.memory_space<vmem_shared>>)
        tpu.yield
      }) : () -> ()
      %add3A_221 = arith.constant 2 : i32
      %add3A_222 = arith.addi %add3A_174, %add3A_221 : i32
      %add3A_223 = arith.constant 4 : i32
      %add3A_224 = arith.addi %add3A_222, %add3A_223 : i32
      %lt3A_225 = arith.constant 125 : i32
      %lt3A_226 = arith.cmpi slt, %add3A_224, %lt3A_225 : i32
      %convert_element_type3A_227 = arith.extui %lt3A_226 : i1 to i32
      %cond3A_228 = arith.constant 0 : i32
      %cond3A_229 = arith.cmpi ne, %convert_element_type3A_227, %cond3A_228 : i32
      scf.if %cond3A_229 {
        %mul3A_249 = arith.constant 80 : i32
        %mul3A_250 = arith.muli %add3A_224, %mul3A_249 : i32
        %add3A_251 = arith.addi %mul3A_140, %mul3A_250 : i32
        %dma_start3A_252 = arith.constant 0 : i32
        %dma_start3A_253 = tpu.memref_slice %arg2[%add3A_251, %dma_start3A_252] : memref<640000x128xf32, #tpu.memory_space<hbm>> -> memref<80x128xf32, #tpu.memory_space<hbm>>
        %dma_start3A_254 = arith.constant 0 : i32
        %dma_start3A_255 = tpu.memref_slice %arg2[%add3A_251, %dma_start3A_254] : memref<640000x128xf32, #tpu.memory_space<hbm>> -> memref<80x128xf32, #tpu.memory_space<hbm>>
        tpu.enqueue_dma source(%dma_start3A_255 : memref<80x128xf32, #tpu.memory_space<hbm>>) target(%arg9 : memref<80x128xf32, #tpu.memory_space<vmem>>) target_semaphore(%arg13 : memref<!tpu.dma_semaphore, #tpu.memory_space<semaphore_mem>>)
      } else {
      }
      %dma_wait3A_230 = arith.constant 0 : i32
      %dma_wait3A_231 = arith.constant 0 : i32
      %dma_wait3A_232 = tpu.memref_slice %arg2[%dma_wait3A_230, %dma_wait3A_231] : memref<640000x128xf32, #tpu.memory_space<hbm>> -> memref<80x128xf32, #tpu.memory_space<hbm>>
      %dma_wait3A_233 = arith.constant 0 : i32
      %dma_wait3A_234 = arith.constant 0 : i32
      %dma_wait3A_235 = tpu.memref_slice %arg2[%dma_wait3A_233, %dma_wait3A_234] : memref<640000x128xf32, #tpu.memory_space<hbm>> -> memref<80x128xf32, #tpu.memory_space<hbm>>
      tpu.wait_dma2 semaphore(%arg14 : memref<!tpu.dma_semaphore, #tpu.memory_space<semaphore_mem>>) src(%dma_wait3A_235 : memref<80x128xf32, #tpu.memory_space<hbm>>) dst(%arg10 : memref<80x128xf32, #tpu.memory_space<vmem>>)
      %add3A_236 = arith.constant 3 : i32
      %add3A_237 = arith.addi %add3A_174, %add3A_236 : i32
      %sub3A_238 = arith.constant 64 : i32
      %sub3A_239 = arith.subi %add3A_237, %sub3A_238 : i32
      "tpu.region"() ({
        %run_scoped3A_249 = tpu.sem_alloc : memref<!tpu.dma_semaphore, #tpu.memory_space<semaphore_mem>>
        %dma_start3A_250 = arith.constant 0 : i32
        %dma_start3A_251 = tpu.memref_slice %arg6[%sub3A_239, %dma_start3A_250] : memref<64x80xi32, #tpu.memory_space<vmem>> -> memref<1x80xi32, #tpu.memory_space<vmem>>
        %dma_start3A_252 = tpu.memref_squeeze %dma_start3A_251 : memref<1x80xi32, #tpu.memory_space<vmem>> -> memref<80xi32, #tpu.memory_space<vmem>>
        %dma_start3A_253 = arith.constant 0 : i32
        %dma_start3A_254 = arith.constant 0 : i32
        %dma_start3A_255 = tpu.memref_slice %arg15[%dma_start3A_253, %dma_start3A_254] : memref<10000x128xf32, #tpu.memory_space<vmem_shared>> -> memref<10000x128xf32, #tpu.memory_space<vmem_shared>>
        tpu.enqueue_indirect_dma source(%arg10 : memref<80x128xf32, #tpu.memory_space<vmem>>) target(%dma_start3A_255 : memref<10000x128xf32, #tpu.memory_space<vmem_shared>>) offsets(%dma_start3A_252 : memref<80xi32, #tpu.memory_space<vmem>>) semaphore(%run_scoped3A_249 : memref<!tpu.dma_semaphore, #tpu.memory_space<semaphore_mem>>) {add = true}
        %dma_wait3A_256 = arith.constant 0 : i32
        %dma_wait3A_257 = tpu.memref_slice %arg6[%sub3A_239, %dma_wait3A_256] : memref<64x80xi32, #tpu.memory_space<vmem>> -> memref<1x80xi32, #tpu.memory_space<vmem>>
        %dma_wait3A_258 = tpu.memref_squeeze %dma_wait3A_257 : memref<1x80xi32, #tpu.memory_space<vmem>> -> memref<80xi32, #tpu.memory_space<vmem>>
        %dma_wait3A_259 = arith.constant 0 : i32
        %dma_wait3A_260 = arith.constant 0 : i32
        %dma_wait3A_261 = tpu.memref_slice %arg15[%dma_wait3A_259, %dma_wait3A_260] : memref<10000x128xf32, #tpu.memory_space<vmem_shared>> -> memref<10000x128xf32, #tpu.memory_space<vmem_shared>>
        tpu.wait_indirect_dma semaphore(%run_scoped3A_249 : memref<!tpu.dma_semaphore, #tpu.memory_space<semaphore_mem>>) src(%arg10 : memref<80x128xf32, #tpu.memory_space<vmem>>) dst(%dma_wait3A_261 : memref<10000x128xf32, #tpu.memory_space<vmem_shared>>)
        tpu.yield
      }) : () -> ()
      %add3A_240 = arith.constant 3 : i32
      %add3A_241 = arith.addi %add3A_174, %add3A_240 : i32
      %add3A_242 = arith.constant 4 : i32
      %add3A_243 = arith.addi %add3A_241, %add3A_242 : i32
      %lt3A_244 = arith.constant 125 : i32
      %lt3A_245 = arith.cmpi slt, %add3A_243, %lt3A_244 : i32
      %convert_element_type3A_246 = arith.extui %lt3A_245 : i1 to i32
      %cond3A_247 = arith.constant 0 : i32
      %cond3A_248 = arith.cmpi ne, %convert_element_type3A_246, %cond3A_247 : i32
      scf.if %cond3A_248 {
        %mul3A_249 = arith.constant 80 : i32
        %mul3A_250 = arith.muli %add3A_243, %mul3A_249 : i32
        %add3A_251 = arith.addi %mul3A_140, %mul3A_250 : i32
        %dma_start3A_252 = arith.constant 0 : i32
        %dma_start3A_253 = tpu.memref_slice %arg2[%add3A_251, %dma_start3A_252] : memref<640000x128xf32, #tpu.memory_space<hbm>> -> memref<80x128xf32, #tpu.memory_space<hbm>>
        %dma_start3A_254 = arith.constant 0 : i32
        %dma_start3A_255 = tpu.memref_slice %arg2[%add3A_251, %dma_start3A_254] : memref<640000x128xf32, #tpu.memory_space<hbm>> -> memref<80x128xf32, #tpu.memory_space<hbm>>
        tpu.enqueue_dma source(%dma_start3A_255 : memref<80x128xf32, #tpu.memory_space<hbm>>) target(%arg10 : memref<80x128xf32, #tpu.memory_space<vmem>>) target_semaphore(%arg14 : memref<!tpu.dma_semaphore, #tpu.memory_space<semaphore_mem>>)
      } else {
      }
    }
    %scan3A_152 = arith.constant 15 : i32
    %dma_wait3A_153 = arith.constant 0 : i32
    %dma_wait3A_154 = arith.constant 0 : i32
    %dma_wait3A_155 = tpu.memref_slice %arg2[%dma_wait3A_153, %dma_wait3A_154] : memref<640000x128xf32, #tpu.memory_space<hbm>> -> memref<80x128xf32, #tpu.memory_space<hbm>>
    %dma_wait3A_156 = arith.constant 0 : i32
    %dma_wait3A_157 = arith.constant 0 : i32
    %dma_wait3A_158 = tpu.memref_slice %arg2[%dma_wait3A_156, %dma_wait3A_157] : memref<640000x128xf32, #tpu.memory_space<hbm>> -> memref<80x128xf32, #tpu.memory_space<hbm>>
    tpu.wait_dma2 semaphore(%arg11 : memref<!tpu.dma_semaphore, #tpu.memory_space<semaphore_mem>>) src(%dma_wait3A_158 : memref<80x128xf32, #tpu.memory_space<hbm>>) dst(%arg7 : memref<80x128xf32, #tpu.memory_space<vmem>>)
    %run_scoped3A_159 = arith.constant 60 : i32
    "tpu.region"() ({
      %run_scoped3A_170 = tpu.sem_alloc : memref<!tpu.dma_semaphore, #tpu.memory_space<semaphore_mem>>
      %dma_start3A_171 = arith.constant 0 : i32
      %dma_start3A_172 = tpu.memref_slice %arg6[%run_scoped3A_159, %dma_start3A_171] : memref<64x80xi32, #tpu.memory_space<vmem>> -> memref<1x80xi32, #tpu.memory_space<vmem>>
      %dma_start3A_173 = tpu.memref_squeeze %dma_start3A_172 : memref<1x80xi32, #tpu.memory_space<vmem>> -> memref<80xi32, #tpu.memory_space<vmem>>
      %dma_start3A_174 = arith.constant 0 : i32
      %dma_start3A_175 = arith.constant 0 : i32
      %dma_start3A_176 = tpu.memref_slice %arg15[%dma_start3A_174, %dma_start3A_175] : memref<10000x128xf32, #tpu.memory_space<vmem_shared>> -> memref<10000x128xf32, #tpu.memory_space<vmem_shared>>
      tpu.enqueue_indirect_dma source(%arg7 : memref<80x128xf32, #tpu.memory_space<vmem>>) target(%dma_start3A_176 : memref<10000x128xf32, #tpu.memory_space<vmem_shared>>) offsets(%dma_start3A_173 : memref<80xi32, #tpu.memory_space<vmem>>) semaphore(%run_scoped3A_170 : memref<!tpu.dma_semaphore, #tpu.memory_space<semaphore_mem>>) {add = true}
      %dma_wait3A_177 = arith.constant 0 : i32
      %dma_wait3A_178 = tpu.memref_slice %arg6[%run_scoped3A_159, %dma_wait3A_177] : memref<64x80xi32, #tpu.memory_space<vmem>> -> memref<1x80xi32, #tpu.memory_space<vmem>>
      %dma_wait3A_179 = tpu.memref_squeeze %dma_wait3A_178 : memref<1x80xi32, #tpu.memory_space<vmem>> -> memref<80xi32, #tpu.memory_space<vmem>>
      %dma_wait3A_180 = arith.constant 0 : i32
      %dma_wait3A_181 = arith.constant 0 : i32
      %dma_wait3A_182 = tpu.memref_slice %arg15[%dma_wait3A_180, %dma_wait3A_181] : memref<10000x128xf32, #tpu.memory_space<vmem_shared>> -> memref<10000x128xf32, #tpu.memory_space<vmem_shared>>
      tpu.wait_indirect_dma semaphore(%run_scoped3A_170 : memref<!tpu.dma_semaphore, #tpu.memory_space<semaphore_mem>>) src(%arg7 : memref<80x128xf32, #tpu.memory_space<vmem>>) dst(%dma_wait3A_182 : memref<10000x128xf32, #tpu.memory_space<vmem_shared>>)
      tpu.yield
    }) : () -> ()
    %barrier3A_160 = arith.constant 0 : index
    tpu.barrier barrier_id(%barrier3A_160)
    %mul3A_161 = arith.constant 10000 : i32
    %mul3A_162 = arith.muli %add3A_131, %mul3A_161 : i32
    %mul3A_163 = arith.constant 624 : i32
    %mul3A_164 = arith.muli %arg1, %mul3A_163 : i32
    "tpu.region"() ({
      %run_scoped3A_170 = tpu.sem_alloc : memref<!tpu.dma_semaphore, #tpu.memory_space<semaphore_mem>>
      %dma_start3A_171 = arith.constant 0 : i32
      %dma_start3A_172 = tpu.memref_slice %arg5[%mul3A_162, %dma_start3A_171] : memref<40000x128xf32, #tpu.memory_space<hbm>> -> memref<10000x128xf32, #tpu.memory_space<hbm>>
      %dma_start3A_173 = arith.constant 0 : i32
      %dma_start3A_174 = tpu.memref_slice %dma_start3A_172[%mul3A_164, %dma_start3A_173] : memref<10000x128xf32, #tpu.memory_space<hbm>> -> memref<624x128xf32, #tpu.memory_space<hbm>>
      %dma_start3A_175 = arith.constant 0 : i32
      %dma_start3A_176 = tpu.memref_slice %arg15[%mul3A_164, %dma_start3A_175] : memref<10000x128xf32, #tpu.memory_space<vmem_shared>> -> memref<624x128xf32, #tpu.memory_space<vmem_shared>>
      tpu.enqueue_dma source(%dma_start3A_176 : memref<624x128xf32, #tpu.memory_space<vmem_shared>>) target(%dma_start3A_174 : memref<624x128xf32, #tpu.memory_space<hbm>>) target_semaphore(%run_scoped3A_170 : memref<!tpu.dma_semaphore, #tpu.memory_space<semaphore_mem>>)
      %dma_wait3A_177 = arith.constant 0 : i32
      %dma_wait3A_178 = tpu.memref_slice %arg5[%mul3A_162, %dma_wait3A_177] : memref<40000x128xf32, #tpu.memory_space<hbm>> -> memref<10000x128xf32, #tpu.memory_space<hbm>>
      %dma_wait3A_179 = arith.constant 0 : i32
      %dma_wait3A_180 = tpu.memref_slice %dma_wait3A_178[%mul3A_164, %dma_wait3A_179] : memref<10000x128xf32, #tpu.memory_space<hbm>> -> memref<624x128xf32, #tpu.memory_space<hbm>>
      %dma_wait3A_181 = arith.constant 0 : i32
      %dma_wait3A_182 = tpu.memref_slice %arg15[%mul3A_164, %dma_wait3A_181] : memref<10000x128xf32, #tpu.memory_space<vmem_shared>> -> memref<624x128xf32, #tpu.memory_space<vmem_shared>>
      tpu.wait_dma2 semaphore(%run_scoped3A_170 : memref<!tpu.dma_semaphore, #tpu.memory_space<semaphore_mem>>) src(%dma_wait3A_182 : memref<624x128xf32, #tpu.memory_space<vmem_shared>>) dst(%dma_wait3A_180 : memref<624x128xf32, #tpu.memory_space<hbm>>)
      tpu.yield
    }) : () -> ()
    %eq3A_165 = arith.constant 15 : i32
    %eq3A_166 = arith.cmpi eq, %arg1, %eq3A_165 : i32
    %convert_element_type3A_167 = arith.extui %eq3A_166 : i1 to i32
    %cond3A_168 = arith.constant 0 : i32
    %cond3A_169 = arith.cmpi ne, %convert_element_type3A_167, %cond3A_168 : i32
    scf.if %cond3A_169 {
      "tpu.region"() ({
        %run_scoped3A_170 = tpu.sem_alloc : memref<!tpu.dma_semaphore, #tpu.memory_space<semaphore_mem>>
        %dma_start3A_171 = arith.constant 0 : i32
        %dma_start3A_172 = tpu.memref_slice %arg5[%mul3A_162, %dma_start3A_171] : memref<40000x128xf32, #tpu.memory_space<hbm>> -> memref<10000x128xf32, #tpu.memory_space<hbm>>
        %dma_start3A_173 = arith.constant 9984 : i32
        %dma_start3A_174 = arith.constant 0 : i32
        %dma_start3A_175 = tpu.memref_slice %dma_start3A_172[%dma_start3A_173, %dma_start3A_174] : memref<10000x128xf32, #tpu.memory_space<hbm>> -> memref<16x128xf32, #tpu.memory_space<hbm>>
        %dma_start3A_176 = arith.constant 9984 : i32
        %dma_start3A_177 = arith.constant 0 : i32
        %dma_start3A_178 = tpu.memref_slice %arg15[%dma_start3A_176, %dma_start3A_177] : memref<10000x128xf32, #tpu.memory_space<vmem_shared>> -> memref<16x128xf32, #tpu.memory_space<vmem_shared>>
        tpu.enqueue_dma source(%dma_start3A_178 : memref<16x128xf32, #tpu.memory_space<vmem_shared>>) target(%dma_start3A_175 : memref<16x128xf32, #tpu.memory_space<hbm>>) target_semaphore(%run_scoped3A_170 : memref<!tpu.dma_semaphore, #tpu.memory_space<semaphore_mem>>)
        %dma_wait3A_179 = arith.constant 0 : i32
        %dma_wait3A_180 = tpu.memref_slice %arg5[%mul3A_162, %dma_wait3A_179] : memref<40000x128xf32, #tpu.memory_space<hbm>> -> memref<10000x128xf32, #tpu.memory_space<hbm>>
        %dma_wait3A_181 = arith.constant 9984 : i32
        %dma_wait3A_182 = arith.constant 0 : i32
        %dma_wait3A_183 = tpu.memref_slice %dma_wait3A_180[%dma_wait3A_181, %dma_wait3A_182] : memref<10000x128xf32, #tpu.memory_space<hbm>> -> memref<16x128xf32, #tpu.memory_space<hbm>>
        %dma_wait3A_184 = arith.constant 9984 : i32
        %dma_wait3A_185 = arith.constant 0 : i32
        %dma_wait3A_186 = tpu.memref_slice %arg15[%dma_wait3A_184, %dma_wait3A_185] : memref<10000x128xf32, #tpu.memory_space<vmem_shared>> -> memref<16x128xf32, #tpu.memory_space<vmem_shared>>
        tpu.wait_dma2 semaphore(%run_scoped3A_170 : memref<!tpu.dma_semaphore, #tpu.memory_space<semaphore_mem>>) src(%dma_wait3A_186 : memref<16x128xf32, #tpu.memory_space<vmem_shared>>) dst(%dma_wait3A_183 : memref<16x128xf32, #tpu.memory_space<hbm>>)
        tpu.yield
      }) : () -> ()
    } else {
    }
    return
  }
}

</mosaic_0001>

<sc_bundles>
// kernel: kernel.3.cloned.1.call-start
scs
__scs_entry_jumppad:
0x0: {  	(pc) =	sbr.rel $0x88, $3  }
0x1: {  	(tag) =	ssettag $0x0;
	lr =	simm.s32 $0x1  }
0x2: {  	[smem:$0x3F9F] =	sst lr;
	_ =	strace $0xD0000000  }
0x3: {  	_ = 	snop  }
0x4: {  	_ = 	snop  }
0x5: {  	_ = 	snop  }
0x6: {  	_ = 	snop  }
0x7: {  	_ = 	snop  }
__scs_overlays_trampoline_lowered:
0x8: {  	[smem:$0x3FAE] =	sst s0  }
0x9: {  	[smem:$0x3FAF] =	sst s1  }
0xa: {  	[smem:$0x3FB0] =	sst s2  }
0xb: {  	[smem:$0x3FB1] =	sst s3  }
0xc: {  	[smem:$0x3FB2] =	sst s4  }
0xd: {  	[smem:$0x3FB3] =	sst s5  }
0xe: {  	[smem:$0x3FB4] =	sst s6  }
0xf: {  	[smem:$0x3FB5] =	sst s7  }
0x10: {  	[smem:$0x3FB6] =	sst s8  }
0x11: {  	[smem:$0x3FB7] =	sst s9;
	s0 =	simm.s32 @!p0 $0x0  }
0x12: {  	s1 =	sld [smem:$0x3F9D];
	s0 =	simm.s32 @p0 $0x1  }
0x13: {  	[smem:$0x3FB8] =	sst s0;
	s0 =	simm.s32 @!p1 $0x0  }
0x14: {  	s2 =	sld [smem:$0x3F9C];
	s0 =	simm.s32 @p1 $0x1  }
0x15: {  	[smem:$0x3FB9] =	sst s0;
	s0 =	simm.s32 @!p2 $0x0  }
0x16: {  	s3 =	sld [smem:$0x3FDB];
	s0 =	simm.s32 @p2 $0x1  }
0x17: {  	s4 =	simm.s32 $0x1BF5;
	[smem:$0x3FBB] =	sst s0  }
0x18: {  	s0 =	sld [smem:$0x3F9E];
	_ =	swait.ge [sflag:s4], $0x0  }
0x19: {  	s7 =	sld [smem:$0x3F9F]  }
0x1a: {  	s8 =	sadd.s32 $0xFFFFE003, lr  }
0x1b: {  	s9 =	sadd.s32 $0xFFFFFEF7, lr;
	s5 =	simm.s32 $0xFFFFFFFF;
	p2 =	slt.u32 s8, $0xFFFFF086  }
0x1c: {  	p1 =	slt.u32 s9, $0xF7A;
	s5 =	simm.s32 @!p2 $0x0  }
0x1d: {  	s5 =	simm.s32 @p1 $0x1;
	p0 =	seq.s32 s7, s2  }
0x1e: {  	s7 =	smul.u32 @!p0 $0xF7A, s2;
	p2 =	seq.s32 @!p0 s5, $0x0  }
0x1f: {  	s9 =	smul.u32 $0xF7A, s1;
	s8 =	simm.s32 @!p0 $0x1BF5;
	p2 =	por !p2, p0  }
0x20: {  	[sflag:s8] =	ssyncset.s32 @!p0 $0xFFFFF086;
	s6 =	sadd.s32 @!p0 s3, s7;
	s7 =	simm.s32 @!p0 $0x108  }
0x21: {  	s3 =	sadd.s32 s3, s9;
	s6 =	sadd.s32 @!p0 $0x88, s6;
	s7 =	simm.s32 @p2 $0x1082  }
0x22: {  	[simem:s7], [sflag:s8] =	dma.local @!p0 [hbm:s6], $0xF7A  }
0x23: {  	s9 =	sor.u32 $0xD0000000, s2;
	s6 =	simm.s32 $0x108;
	_ =	swait.ge @!p0 [sflag:s8], $0x0  }
0x24: {  	s3 =	sadd.s32 $0x88, s3;
	s6 =	simm.s32 @!p1 $0x1082;
	[sflag:s4] =	ssyncset.s32 $0xFFFFF086  }
0x25: {  	[simem:s6], [sflag:s4] =	dma.local [hbm:s3], $0xF7A  }
0x26: {  	[smem:$0x3F9F] =	sst s1;
	(tag) =	ssettag s2;
	_ =	strace s9  }
0x27: {  	s1 =	sld [smem:$0x3FAF]  }
0x28: {  	s2 =	sld [smem:$0x3FB0]  }
0x29: {  	s4 =	sld [smem:$0x3FB2]  }
0x2a: {  	p0 =	seq.s32 s5, $0x0;
	s5 =	sld [smem:$0x3FB3]  }
0x2b: {  	s6 =	sld [smem:$0x3FB4]  }
0x2c: {  	s7 =	sld [smem:$0x3FB5]  }
0x2d: {  	s3 =	simm.s32 $0x108;
	s8 =	sld [smem:$0x3FB6]  }
0x2e: {  	s3 =	simm.s32 @!p0 $0x1082;
	s9 =	sld [smem:$0x3FB7]  }
0x2f: {  	lr =	sadd.s32 s0, s3;
	s0 =	sld [smem:$0x3FAE]  }
0x30: {  	s3 =	sld [smem:$0x3FB1]  }
0x31: {  	[smem:$0x3FBA] =	sst s10  }
0x32: {  	s10 =	sld [smem:$0x3FB8];
	_ =	sdelay $0x3  }
0x33: {  	p0 =	seq.s32 s10, $0x1;
	s10 =	sld [smem:$0x3FBA];
	_ =	sdelay $0x3  }
0x34: {  	[smem:$0x3FBA] =	sst s10  }
0x35: {  	s10 =	sld [smem:$0x3FB9];
	_ =	sdelay $0x3  }
0x36: {  	p1 =	seq.s32 s10, $0x1;
	s10 =	sld [smem:$0x3FBA];
	_ =	sdelay $0x3  }
0x37: {  	[smem:$0x3FBA] =	sst s10  }
0x38: {  	s10 =	sld [smem:$0x3FBB]  }
0x39: {  	_ = 	snop;
	(pc) =	sbr.ind lr, $3  }
0x3a: {  	_ = 	snop  }
0x3b: {  	_ = 	snop  }
0x3c: {  	p2 =	seq.s32 s10, $0x1;
	s10 =	sld [smem:$0x3FBA]  }
0x3d: {  	_ =	shalt  }
0x3e: {  	_ =	shalt  }
0x3f: {  	_ =	shalt  }
0x40: {  	_ =	shalt  }
0x41: {  	_ =	shalt  }
0x42: {  	_ =	shalt  }
0x43: {  	_ =	shalt  }
0x44: {  	_ =	shalt  }
0x45: {  	_ =	shalt  }
0x46: {  	_ =	shalt  }
0x47: {  	_ =	shalt  }
0x48: {  	_ =	shalt  }
0x49: {  	_ =	shalt  }
0x4a: {  	_ =	shalt  }
0x4b: {  	_ =	shalt  }
0x4c: {  	_ =	shalt  }
0x4d: {  	_ =	shalt  }
0x4e: {  	_ =	shalt  }
0x4f: {  	_ =	shalt  }
0x50: {  	_ =	shalt  }
0x51: {  	_ =	shalt  }
0x52: {  	_ =	shalt  }
0x53: {  	_ =	shalt  }
0x54: {  	_ =	shalt  }
0x55: {  	_ =	shalt  }
0x56: {  	_ =	shalt  }
0x57: {  	_ =	shalt  }
0x58: {  	_ =	shalt  }
0x59: {  	_ =	shalt  }
0x5a: {  	_ =	shalt  }
0x5b: {  	_ =	shalt  }
0x5c: {  	_ =	shalt  }
0x5d: {  	_ =	shalt  }
0x5e: {  	_ =	shalt  }
0x5f: {  	_ =	shalt  }
0x60: {  	_ =	shalt  }
0x61: {  	_ =	shalt  }
0x62: {  	_ =	shalt  }
0x63: {  	_ =	shalt  }
0x64: {  	_ =	shalt  }
0x65: {  	_ =	shalt  }
0x66: {  	_ =	shalt  }
0x67: {  	_ =	shalt  }
0x68: {  	_ =	shalt  }
0x69: {  	_ =	shalt  }
0x6a: {  	_ =	shalt  }
0x6b: {  	_ =	shalt  }
0x6c: {  	_ =	shalt  }
0x6d: {  	_ =	shalt  }
0x6e: {  	_ =	shalt  }
0x6f: {  	_ =	shalt  }
0x70: {  	_ =	shalt  }
0x71: {  	_ =	shalt  }
0x72: {  	_ =	shalt  }
0x73: {  	_ =	shalt  }
0x74: {  	_ =	shalt  }
0x75: {  	_ =	shalt  }
0x76: {  	_ =	shalt  }
0x77: {  	_ =	shalt  }
0x78: {  	_ =	shalt  }
0x79: {  	_ =	shalt  }
0x7a: {  	_ =	shalt  }
0x7b: {  	_ =	shalt  }
0x7c: {  	_ =	shalt  }
0x7d: {  	_ =	shalt  }
0x7e: {  	_ =	shalt  }
0x7f: {  	_ =	shalt  }
0x80: {  	_ =	shalt  }
0x81: {  	_ =	shalt  }
0x82: {  	_ =	shalt  }
0x83: {  	_ =	shalt  }
0x84: {  	_ =	shalt  }
0x85: {  	_ =	shalt  }
0x86: {  	_ =	shalt  }
0x87: {  	_ =	shalt  }
.Lfunc_end0:
.L_simem_size_0:
called_computation_lowered:
.L_overlay_start_0:
0x88: {  	s2 =	sld [smem:$0x3FD9]  }
0x89: {  	s3 =	sld [smem:$0x3FFE];
	_ =	sdelay $0x1  }
0x8a: {  	s1 =	srdreg.scid  }
0x8b: {  	s0 =	sand.u32 $0x1, s1  }
0x8c: {  	s17 =	sshll.u32 s0, $0xA;
	s2 =	sadd.s32 s3, s2  }
0x8d: {  	s2 =	sadd.s32 s2, s17  }
0x8e: {  	[smem:$0x3FC6] =	sst s2  }
0x8f: {  	_ = 	snop  }
0x90: {  	s2 =	sld [smem:$0x3FC9]  }
0x91: {  	s18 =	sld [smem:$0x3FD0];
	(tm) =	ssettm $0x1  }
0x92: {  	s4 =	sld [smem:$0x3FFB];
	_ =	sdelay $0x3  }
0x93: {  	_ =	strace s4  }
0x94: {  	s4 =	sld [smem:$0x3FFC];
	_ =	sdelay $0x3  }
0x95: {  	_ =	strace s4  }
0x96: {  	s4 =	sld [smem:$0x3FFD];
	_ =	sdelay $0x3  }
0x97: {  	_ =	strace s4  }
0x98: {  	_ =	strace $0x8FFFFFFF  }
0x99: {  	s19 =	sld [smem:$0x3FDB];
	_ =	sdelay $0x1  }
0x9a: {  	s5 =	simm.s32 $_scs_section_size  }
0x9b: {  	s6 =	simm.s32 $_size__tile_overlayer_lowered;
	s7 =	simm.s32 $_tile_overlayer_lowered  }
0x9c: {  	s22 =	simm.s32 $0x1BFF;
	s21 =	sshll.u32 s7, $0x1;
	s4 =	sadd.s32 s5, s19  }
0x9d: {  	s8 =	simm.s32 $0x0;
	s20 =	sshll.u32 s6, $0x1;
	s6 =	sadd.s32 s21, s4  }
0x9e: {  	[timem:s8], [sflag:s22] =	dma.local [hbm:s6], s20  }
0x9f: {  	_ =	swait.ge [sflag:s22], s20  }
0xa0: {  	s5 =	ssub.s32 $0x0, s20;
	[sflag:s22] =	ssyncset.done $0x0  }
0xa1: {  	[sflag:s22] =	ssyncadd.s32 s5;
	_ =	sdelay $0x1  }
0xa2: {  	s23 =	simm.s32 $0x1B8B  }
0xa3: {  	_ =	swait.ge [sflag:s23], $0x1  }
0xa4: {  	[sflag:s23] =	ssyncset.done $0x0  }
0xa5: {  	s25 =	simm.s32 $0x1B8E;
	s24 =	sld [smem:$0x3FFE];
	[sflag:s23] =	ssyncadd.s32 $0xFFFFFFFF  }
0xa6: {  	s26 =	simm.s32 $execute0_lowered;
	[smem:$0x3FD2] =	sst s25  }
0xa7: {  	s6 =	sshll.u32 s26, $0x1;
	_ =	strace $0x80000046;
	[dreg:$0x1] =	wrdreg $0xFFFFFFFF  }
0xa8: {  	s28 =	simm.s32 $_size_execute0_lowered;
	s4 =	sadd.s32 s4, s6;
	[dreg:$0x0] =	wrdreg $0x0  }
0xa9: {  	s6 =	sshll.u32 s28, $0x1;
	[dreg:$0x2] =	wrdreg s4  }
0xaa: {  	[dreg:$0x3] =	wrdreg s6  }
0xab: {  	[dreg:$0x4] =	wrdreg $0xC0  }
0xac: {  	_ =	task [dreg:s8], $0x5FFFF  }
0xad: {  	[dreg:$0x1] =	wrdreg $0xFFFFFFFF  }
0xae: {  	[dreg:$0x0] =	wrdreg $0x60  }
0xaf: {  	[dreg:$0x2] =	wrdreg s2  }
0xb0: {  	[dreg:$0x3] =	wrdreg s24  }
0xb1: {  	[dreg:$0x4] =	wrdreg s18  }
0xb2: {  	[dreg:$0x5] =	wrdreg $0xC0000  }
0xb3: {  	[dreg:$0x6] =	wrdreg $0x9  }
0xb4: {  	_ =	task.clear_ibuf [dreg:s8], $0x7FFFF;
	_ =	strace $0x90000046  }
0xb5: {  	s29 =	simm.s32 $0x9;
	_ =	strace $0x80000048  }
0xb6: {  	_ =	swait.ge [sflag:s29], $0x1  }
0xb7: {  	[sflag:s29] =	ssyncadd.s32 $0xFFFFFFFF  }
0xb8: {  	_ =	strace $0x90000048  }
0xb9: {  	_ =	sfence  }
0xba: {  	s30 =	sld [smem:$0x0];
	_ =	sdelay $0x2  }
0xbb: {  	s31 =	sshll.u32 s1, $0xD;
	s1 =	sshrl.u32 s1, $0x2  }
0xbc: {  	s3 =	sand.u32 $0x4000, s31;
	s1 =	sadd.s32 s1, s30  }
0xbd: {  	s0 =	sor.u32 s3, s0;
	s1 =	sshll.u32 s1, $0x11  }
0xbe: {  	s0 =	sor.u32 s1, s0  }
0xbf: {  	s0 =	sadd.s32 $0x8F2B, s0  }
0xc0: {  	[sflag:s0] =	ssyncadd.remote.s32 $0x1  }
0xc1: {  	_ =	sfence.sel $0xFFFF  }
0xc2: {  	[dreg:$0x0] =	wrdreg $0xFFFFFFFF;
	(pc) =	sbr.abs _section_cstart, $3  }
0xc3: {  	[dreg:$0x1] =	wrdreg $0xFFFFFFFF  }
0xc4: {  	_ =	task.clear_ibuf [dreg:s8], $0x2FFFF;
	_ =	strace $0x9FFFFFFF  }
0xc5: {  	(tm) =	ssettm $0x7FFFFFFF  }
tec
execute0_lowered:
.L_overlay_start_1:
0x0: {  	(tag) =	ssettag $0x1  }
0x1: {  	s0 =	rddreg [dreg:$0x0]  }
0x2: {  	s2 =	rddreg [dreg:$0x1]  }
0x3: {  	s5 =	rddreg [dreg:$0x2]  }
0x4: {  	s1 =	rddreg [dreg:$0x3]  }
0x5: {  	s3 =	srdreg.scid;
	s19 =	stileid.u32  }
0x6: {  	s31 =	simm.s32 $0x2000;
	s6 =	sand.u32 $0x1, s3;
	s3 =	simm.s32 $0x0  }
0x7: {  	s9 =	sadd.s32 $0x400, s2;
	s24 =	smul.u32 $0x4E000, s19;
	s17 =	sadd.s32 $0x800, s2  }
0x8: {  	p0 =	sne.s32 s19, $0xF;
	s4 =	sshll.u32 s6, $0x5;
	s20 =	smul.u32 $0x4E200, s6  }
0x9: {  	s10 =	ssub.s32 $0x2, s6;
	s15 =	sshllo.u32 s6, $0x1;
	s6 =	smul.u32 $0x4E2000, s6  }
0xa: {  	[smem:$0x7FF] =	sst s3;
	s7 =	sor.u32 s19, s4;
	s4 =	smul.u32 $0x2700, s19  }
0xb: {  	_ =	strace $0x80000047;
	s11 =	sshrl.u32 s10, $0x1;
	s8 =	smul.u32 $0x138800, s7  }
0xc: {  	s25 =	sshll.u32 s15, $0x4;
	s12 =	smul.u32 $0x27100, s7;
	s14 =	ssub.s32 s10, s11  }
0xd: {  	s7 =	sshll.u32 s7, $0xB;
	s26 =	sor.u32 s19, s25;
	s10 =	sshrl.u32 s24, $0x2  }
0xe: {  	s24 =	smul.u32 $0x27100, s19;
	s20 =	sadd.s32 s5, s20;
	s13 =	sadd.s32 s4, s2  }
0xf: {  	s28 =	sadd.s32 s9, s7;
	s16 =	smul.u32 $0x27100, s26;
	s10 =	sadd.s32 s10, s1  }
0x10: {  	s18 =	smul.u32 $0x138800, s26;
	s29 =	sadd.s32 s7, s17;
	s7 =	simm.s32 $0x5  }
0x11: {  	s8 =	sshrl.u32 s8, $0x3;
	s22 =	sadd.s32 s0, s12;
	[dreg:$0x9] =	wrdreg s28  }
0x12: {  	s11 =	sadd.s32 $0x20400, s13;
	[dreg:$0xa] =	wrdreg s29;
	s28 =	sadd.s32 $0x138000, s1  }
0x13: {  	s12 =	sadd.s32 $0x47400, s2;
	s13 =	simm.s32 $0x2;
	[dreg:$0x12] =	wrdreg s28  }
0x14: {  	s8 =	sadd.s32 s0, s8;
	[dreg:$0x5] =	wrdreg s22;
	s29 =	sadd.s32 $0x26C00, s22  }
0x15: {  	s30 =	sadd.s32 s0, s16;
	s18 =	sshrl.u32 s18, $0x3;
	[dreg:$0x13] =	wrdreg s29  }
0x16: {  	s21 =	sadd.s32 $0x500, s8;
	s23 =	sadd.s32 $0xA00, s8;
	[dreg:$0xb] =	wrdreg s30  }
0x17: {  	s8 =	sadd.s32 $0xF00, s8;
	s2 =	sadd.s32 s0, s18;
	[dreg:$0x6] =	wrdreg s21  }
0x18: {  	s0 =	sadd.s32 s6, s0;
	s30 =	sadd.s32 $0x26C00, s30;
	[dreg:$0x7] =	wrdreg s23  }
0x19: {  	s6 =	simm.s32 $0x9800;
	[dreg:$0x8] =	wrdreg s8;
	s8 =	sshll.u32 s26, $0xB  }
0x1a: {  	s21 =	sadd.s32 $0x500, s2;
	s23 =	smul.u32 $0x27100, s15;
	[dreg:$0x14] =	wrdreg s30  }
0x1b: {  	s25 =	sadd.s32 $0xA00, s2;
	s2 =	sadd.s32 $0xF00, s2;
	[dreg:$0xc] =	wrdreg s21  }
0x1c: {  	s26 =	smax.u32 s14, $0x1;
	s0 =	sadd.s32 s24, s0;
	[dreg:$0xf] =	wrdreg s25  }
0x1d: {  	s15 =	simm.s32 $0x4;
	s14 =	simm.s32 $0x0;
	[dreg:$0x10] =	wrdreg s2  }
0x1e: {  	s9 =	sadd.s32 s9, s8;
	s8 =	sadd.s32 s8, s17;
	[dreg:$0x11] =	wrdreg s26  }
0x1f: {  	s18 =	sadd.s32 $0x2300, s0;
	s24 =	sadd.s32 $0x16300, s0;
	s25 =	sadd.s32 $0x273300, s0  }
0x20: {  	s26 =	sadd.s32 $0x287300, s0;
	s0 =	simm.s32 $0x4800;
	[dreg:$0xd] =	wrdreg s9  }
0x21: {  	s2 =	simm.s32 $0x7000;
	[dreg:$0xe] =	wrdreg s8;
	s21 =	sadd.s32 s5, s23  }
0x22: {  	s8 =	simm.s32 $0x1;
	s9 =	simm.s32 $0x50;
	s5 =	simm.s32 $0x3  }
.LBB2_1:
0x23: {  	s16 =	rddreg [dreg:$0x5]  }
0x24: {  	[tilespmem:s31], [sflag:$0x1] =	stream.linear.gather [hbm4b:s16+s3], $0x2800, $0x38;
	[tilespmem:$0x1F880] =	vst v63  }
0x25: {  	s17 =	rddreg [dreg:$0x6]  }
0x26: {  	[tilespmem:s0], [sflag:$0x2] =	stream.linear.gather [hbm4b:s17+s3], $0x2800, $0x38;
	[tilespmem:$0x1F880] =	vst v63  }
0x27: {  	s19 =	rddreg [dreg:$0x7]  }
0x28: {  	[tilespmem:s2], [sflag:$0x3] =	stream.linear.gather [hbm4b:s19+s3], $0x2800, $0x38;
	[tilespmem:$0x1F880] =	vst v63  }
0x29: {  	s22 =	rddreg [dreg:$0x8]  }
0x2a: {  	[tilespmem:s6], [sflag:$0x4] =	stream.linear.gather [hbm4b:s22+s3], $0x2800, $0x38;
	[tilespmem:$0x1F880] =	vst v63  }
0x2b: {  	s23 =	rddreg [dreg:$0x9]  }
0x2c: {  	[tilespmem:s3], [sflag:$0x5] =	stream.linear.gather [hbm4b:s23+s3], $0x2000, $0x38;
	[tilespmem:$0x1F880] =	vst v63  }
0x2d: {  	s17 =	stileid.u32;
	_ =	swait.ge [sflag:s7], $0x2000  }
0x2e: {  	s16 =	sshll.u32 s17, $0x6;
	[sflag:s7] =	ssyncset.done $0x0  }
0x2f: {  	s29 =	sshrl.u32 s10, $0x3;
	s28 =	sor.u32 $0x1C05, s16;
	[sflag:s7] =	ssyncadd.s32 $0xFFFFE000  }
0x30: {  	[spmem:s29], [sflag:s28] =	dma.local [hbm:s11], $0x2700  }
0x31: {  	_ =	swait.ge [sflag:s7], $0x2700  }
0x32: {  	[sflag:s7] =	ssyncset.done $0x0;
	s16 =	rddreg [dreg:$0x12]  }
0x33: {  	[sflag:s7] =	ssyncadd.s32 $0xFFFFD900;
	s30 =	sshrl.u32 @!p0 s16, $0x3;
	s16 =	simm.s32 @!p0 $0x5  }
0x34: {  	[spmem:s30], [sflag:s28] =	dma.local @!p0 [hbm:s12], $0x100  }
0x35: {  	_ =	swait.ge @!p0 [sflag:s16], $0x100  }
0x36: {  	[sflag:s16] =	ssyncset.done @!p0 $0x0  }
0x37: {  	[sflag:s16] =	ssyncadd.s32 @!p0 $0xFFFFFF00  }
0x38: {  	[bflag:$0x0] =	sbarrier.arrive $0xFFFF  }
0x39: {  	_ =	swait.ge [sflag:s8], $0x2800  }
0x3a: {  	[sflag:s8] =	ssyncset.done $0x0  }
0x3b: {  	s19 =	simm.s32 $0x0;
	[sflag:s8] =	ssyncadd.s32 $0xFFFFD800  }
0x3c: {  	[spmem:s1] =	stream.indirect.scatter.add.f32 [tilespmem:s31], [sflag:$0x5], $0x80, s19, s9, $0xb8;
	[tilespmem:$0x1F880] =	vst v63  }
0x3d: {  	_ =	swait.ge [sflag:s7], $0x2800  }
0x3e: {  	[sflag:s7] =	ssyncset.done $0x0  }
0x3f: {  	s22 =	sadd.s32 $0xFFFFF100, s18;
	[sflag:s7] =	ssyncadd.s32 $0xFFFFD800  }
0x40: {  	[tilespmem:s31], [sflag:$0x1] =	stream.linear.gather [hbm4b:s22+s3], $0x2800, $0x38;
	[tilespmem:$0x1F880] =	vst v63  }
0x41: {  	_ =	swait.ge [sflag:s13], $0x2800  }
0x42: {  	[sflag:s13] =	ssyncset.done $0x0  }
0x43: {  	s23 =	simm.s32 $0x80;
	[sflag:s13] =	ssyncadd.s32 $0xFFFFD800  }
0x44: {  	[spmem:s1] =	stream.indirect.scatter.add.f32 [tilespmem:s0], [sflag:$0x5], $0x80, s23, s9, $0xb8;
	[tilespmem:$0x1F880] =	vst v63  }
0x45: {  	_ =	swait.ge [sflag:s7], $0x2800  }
0x46: {  	[sflag:s7] =	ssyncset.done $0x0  }
0x47: {  	s17 =	sadd.s32 $0xFFFFF600, s18;
	[sflag:s7] =	ssyncadd.s32 $0xFFFFD800  }
0x48: {  	[tilespmem:s0], [sflag:$0x2] =	stream.linear.gather [hbm4b:s17+s3], $0x2800, $0x38;
	[tilespmem:$0x1F880] =	vst v63  }
0x49: {  	_ =	swait.ge [sflag:s5], $0x2800  }
0x4a: {  	[sflag:s5] =	ssyncset.done $0x0  }
0x4b: {  	s19 =	simm.s32 $0x100;
	[sflag:s5] =	ssyncadd.s32 $0xFFFFD800  }
0x4c: {  	[spmem:s1] =	stream.indirect.scatter.add.f32 [tilespmem:s2], [sflag:$0x5], $0x80, s19, s9, $0xb8;
	[tilespmem:$0x1F880] =	vst v63  }
0x4d: {  	_ =	swait.ge [sflag:s7], $0x2800  }
0x4e: {  	[sflag:s7] =	ssyncset.done $0x0  }
0x4f: {  	s22 =	sadd.s32 $0xFFFFFB00, s18;
	[sflag:s7] =	ssyncadd.s32 $0xFFFFD800  }
0x50: {  	[tilespmem:s2], [sflag:$0x3] =	stream.linear.gather [hbm4b:s22+s3], $0x2800, $0x38;
	[tilespmem:$0x1F880] =	vst v63  }
0x51: {  	_ =	swait.ge [sflag:s15], $0x2800  }
0x52: {  	[sflag:s15] =	ssyncset.done $0x0  }
0x53: {  	s23 =	simm.s32 $0x180;
	[sflag:s15] =	ssyncadd.s32 $0xFFFFD800  }
0x54: {  	[spmem:s1] =	stream.indirect.scatter.add.f32 [tilespmem:s6], [sflag:$0x5], $0x80, s23, s9, $0xb8;
	[tilespmem:$0x1F880] =	vst v63  }
0x55: {  	_ =	swait.ge [sflag:s7], $0x2800  }
0x56: {  	s16 =	simm.s32 $0x800;
	[sflag:s7] =	ssyncset.done $0x0  }
0x57: {  	s17 =	sadd.s32 $0x1400, s18;
	s23 =	smov.u32 s18;
	[sflag:s7] =	ssyncadd.s32 $0xFFFFD800  }
.LBB2_2:
0x58: {  	[tilespmem:s6], [sflag:$0x4] =	stream.linear.gather [hbm4b:s23+s3], $0x2800, $0x38;
	[tilespmem:$0x1F880] =	vst v63  }
0x59: {  	s19 =	smov.u32 s16;
	s23 =	smov.u32 s17  }
0x5a: {  	p1 =	sne.s32 s16, $0x7800;
	s16 =	sadd.s32 $0x800, s16;
	_ =	swait.ge [sflag:s8], $0x2800  }
0x5b: {  	[sflag:s8] =	ssyncset.done $0x0  }
0x5c: {  	s19 =	sshra.s32 s19, $0x2;
	[sflag:s8] =	ssyncadd.s32 $0xFFFFD800  }
0x5d: {  	[spmem:s1] =	stream.indirect.scatter.add.f32 [tilespmem:s31], [sflag:$0x5], $0x80, s19, s9, $0xb8;
	[tilespmem:$0x1F880] =	vst v63  }
0x5e: {  	_ =	swait.ge [sflag:s7], $0x2800  }
0x5f: {  	[sflag:s7] =	ssyncset.done $0x0  }
0x60: {  	s22 =	sadd.s32 $0xFFFFF100, s17;
	[sflag:s7] =	ssyncadd.s32 $0xFFFFD800  }
0x61: {  	[tilespmem:s31], [sflag:$0x1] =	stream.linear.gather [hbm4b:s22+s3], $0x2800, $0x38;
	[tilespmem:$0x1F880] =	vst v63  }
0x62: {  	_ =	swait.ge [sflag:s13], $0x2800  }
0x63: {  	[sflag:s13] =	ssyncset.done $0x0  }
0x64: {  	s22 =	sadd.s32 $0x80, s19;
	[sflag:s13] =	ssyncadd.s32 $0xFFFFD800  }
0x65: {  	[spmem:s1] =	stream.indirect.scatter.add.f32 [tilespmem:s0], [sflag:$0x5], $0x80, s22, s9, $0xb8;
	[tilespmem:$0x1F880] =	vst v63  }
0x66: {  	_ =	swait.ge [sflag:s7], $0x2800  }
0x67: {  	[sflag:s7] =	ssyncset.done $0x0  }
0x68: {  	s22 =	sadd.s32 $0xFFFFF600, s17;
	[sflag:s7] =	ssyncadd.s32 $0xFFFFD800  }
0x69: {  	[tilespmem:s0], [sflag:$0x2] =	stream.linear.gather [hbm4b:s22+s3], $0x2800, $0x38;
	[tilespmem:$0x1F880] =	vst v63  }
0x6a: {  	_ =	swait.ge [sflag:s5], $0x2800  }
0x6b: {  	[sflag:s5] =	ssyncset.done $0x0  }
0x6c: {  	s22 =	sadd.s32 $0x100, s19;
	[sflag:s5] =	ssyncadd.s32 $0xFFFFD800  }
0x6d: {  	[spmem:s1] =	stream.indirect.scatter.add.f32 [tilespmem:s2], [sflag:$0x5], $0x80, s22, s9, $0xb8;
	[tilespmem:$0x1F880] =	vst v63  }
0x6e: {  	_ =	swait.ge [sflag:s7], $0x2800  }
0x6f: {  	[sflag:s7] =	ssyncset.done $0x0  }
0x70: {  	s22 =	sadd.s32 $0xFFFFFB00, s17;
	[sflag:s7] =	ssyncadd.s32 $0xFFFFD800  }
0x71: {  	[tilespmem:s2], [sflag:$0x3] =	stream.linear.gather [hbm4b:s22+s3], $0x2800, $0x38;
	[tilespmem:$0x1F880] =	vst v63  }
0x72: {  	_ =	swait.ge [sflag:s15], $0x2800  }
0x73: {  	[sflag:s15] =	ssyncset.done $0x0  }
.Ltmp0:
0x74: {  	s19 =	sadd.s32 $0x180, s19;
	[sflag:s15] =	ssyncadd.s32 $0xFFFFD800;
	(pc) =	sbr.rel @p1 .LBB2_2-.Ltmp0, $4  }
0x75: {  	[spmem:s1] =	stream.indirect.scatter.add.f32 [tilespmem:s6], [sflag:$0x5], $0x80, s19, s9, $0xb8;
	[tilespmem:$0x1F880] =	vst v63  }
0x76: {  	_ =	swait.ge [sflag:s7], $0x2800  }
0x77: {  	[sflag:s7] =	ssyncset.done $0x0  }
0x78: {  	s17 =	sadd.s32 $0x1400, s17;
	[sflag:s7] =	ssyncadd.s32 $0xFFFFD800  }
0x79: {  	[tilespmem:s6], [sflag:$0x4] =	stream.linear.gather [hbm4b:s23+s3], $0x2800, $0x38;
	[tilespmem:$0x1F880] =	vst v63  }
0x7a: {  	s16 =	simm.s32 $0x0;
	s17 =	rddreg [dreg:$0xa]  }
0x7b: {  	[tilespmem:s16], [sflag:$0x5] =	stream.linear.gather [hbm4b:s17+s16], $0x1E80, $0x38;
	[tilespmem:$0x1F880] =	vst v63  }
0x7c: {  	_ =	swait.ge [sflag:s7], $0x1E80  }
0x7d: {  	[sflag:s7] =	ssyncset.done $0x0  }
0x7e: {  	[sflag:s7] =	ssyncadd.s32 $0xFFFFE180  }
0x7f: {  	_ =	swait.ge [sflag:s8], $0x2800  }
0x80: {  	[sflag:s8] =	ssyncset.done $0x0  }
0x81: {  	s19 =	simm.s32 $0x0;
	[sflag:s8] =	ssyncadd.s32 $0xFFFFD800  }
0x82: {  	[spmem:s1] =	stream.indirect.scatter.add.f32 [tilespmem:s31], [sflag:$0x5], $0x80, s19, s9, $0xb8;
	[tilespmem:$0x1F880] =	vst v63  }
0x83: {  	_ =	swait.ge [sflag:s7], $0x2800  }
0x84: {  	[sflag:s7] =	ssyncset.done $0x0  }
0x85: {  	s22 =	sadd.s32 $0xFFFFF100, s24;
	[sflag:s7] =	ssyncadd.s32 $0xFFFFD800  }
0x86: {  	[tilespmem:s31], [sflag:$0x1] =	stream.linear.gather [hbm4b:s22+s3], $0x2800, $0x38;
	[tilespmem:$0x1F880] =	vst v63  }
0x87: {  	_ =	swait.ge [sflag:s13], $0x2800  }
0x88: {  	[sflag:s13] =	ssyncset.done $0x0  }
0x89: {  	s23 =	simm.s32 $0x80;
	[sflag:s13] =	ssyncadd.s32 $0xFFFFD800  }
0x8a: {  	[spmem:s1] =	stream.indirect.scatter.add.f32 [tilespmem:s0], [sflag:$0x5], $0x80, s23, s9, $0xb8;
	[tilespmem:$0x1F880] =	vst v63  }
0x8b: {  	_ =	swait.ge [sflag:s7], $0x2800  }
0x8c: {  	[sflag:s7] =	ssyncset.done $0x0  }
0x8d: {  	s17 =	sadd.s32 $0xFFFFF600, s24;
	[sflag:s7] =	ssyncadd.s32 $0xFFFFD800  }
0x8e: {  	[tilespmem:s0], [sflag:$0x2] =	stream.linear.gather [hbm4b:s17+s3], $0x2800, $0x38;
	[tilespmem:$0x1F880] =	vst v63  }
0x8f: {  	_ =	swait.ge [sflag:s5], $0x2800  }
0x90: {  	[sflag:s5] =	ssyncset.done $0x0  }
0x91: {  	s19 =	simm.s32 $0x100;
	[sflag:s5] =	ssyncadd.s32 $0xFFFFD800  }
0x92: {  	[spmem:s1] =	stream.indirect.scatter.add.f32 [tilespmem:s2], [sflag:$0x5], $0x80, s19, s9, $0xb8;
	[tilespmem:$0x1F880] =	vst v63  }
0x93: {  	_ =	swait.ge [sflag:s7], $0x2800  }
0x94: {  	[sflag:s7] =	ssyncset.done $0x0  }
0x95: {  	s22 =	sadd.s32 $0xFFFFFB00, s24;
	[sflag:s7] =	ssyncadd.s32 $0xFFFFD800  }
0x96: {  	[tilespmem:s2], [sflag:$0x3] =	stream.linear.gather [hbm4b:s22+s3], $0x2800, $0x38;
	[tilespmem:$0x1F880] =	vst v63  }
0x97: {  	_ =	swait.ge [sflag:s15], $0x2800  }
0x98: {  	[sflag:s15] =	ssyncset.done $0x0  }
0x99: {  	s23 =	simm.s32 $0x180;
	[sflag:s15] =	ssyncadd.s32 $0xFFFFD800  }
0x9a: {  	[spmem:s1] =	stream.indirect.scatter.add.f32 [tilespmem:s6], [sflag:$0x5], $0x80, s23, s9, $0xb8;
	[tilespmem:$0x1F880] =	vst v63  }
0x9b: {  	_ =	swait.ge [sflag:s7], $0x2800  }
0x9c: {  	s16 =	simm.s32 $0x800;
	[sflag:s7] =	ssyncset.done $0x0  }
0x9d: {  	s17 =	sadd.s32 $0x1400, s24;
	s23 =	smov.u32 s24;
	[sflag:s7] =	ssyncadd.s32 $0xFFFFD800  }
.LBB2_4:
0x9e: {  	[tilespmem:s6], [sflag:$0x4] =	stream.linear.gather [hbm4b:s23+s3], $0x2800, $0x38;
	[tilespmem:$0x1F880] =	vst v63  }
0x9f: {  	s19 =	smov.u32 s16;
	s23 =	smov.u32 s17  }
0xa0: {  	p1 =	sne.s32 s16, $0x6800;
	s16 =	sadd.s32 $0x800, s16;
	_ =	swait.ge [sflag:s8], $0x2800  }
0xa1: {  	[sflag:s8] =	ssyncset.done $0x0  }
0xa2: {  	s19 =	sshra.s32 s19, $0x2;
	[sflag:s8] =	ssyncadd.s32 $0xFFFFD800  }
0xa3: {  	[spmem:s1] =	stream.indirect.scatter.add.f32 [tilespmem:s31], [sflag:$0x5], $0x80, s19, s9, $0xb8;
	[tilespmem:$0x1F880] =	vst v63  }
0xa4: {  	_ =	swait.ge [sflag:s7], $0x2800  }
0xa5: {  	[sflag:s7] =	ssyncset.done $0x0  }
0xa6: {  	s22 =	sadd.s32 $0xFFFFF100, s17;
	[sflag:s7] =	ssyncadd.s32 $0xFFFFD800  }
0xa7: {  	[tilespmem:s31], [sflag:$0x1] =	stream.linear.gather [hbm4b:s22+s3], $0x2800, $0x38;
	[tilespmem:$0x1F880] =	vst v63  }
0xa8: {  	_ =	swait.ge [sflag:s13], $0x2800  }
0xa9: {  	[sflag:s13] =	ssyncset.done $0x0  }
0xaa: {  	s22 =	sadd.s32 $0x80, s19;
	[sflag:s13] =	ssyncadd.s32 $0xFFFFD800  }
0xab: {  	[spmem:s1] =	stream.indirect.scatter.add.f32 [tilespmem:s0], [sflag:$0x5], $0x80, s22, s9, $0xb8;
	[tilespmem:$0x1F880] =	vst v63  }
0xac: {  	_ =	swait.ge [sflag:s7], $0x2800  }
0xad: {  	[sflag:s7] =	ssyncset.done $0x0  }
0xae: {  	s22 =	sadd.s32 $0xFFFFF600, s17;
	[sflag:s7] =	ssyncadd.s32 $0xFFFFD800  }
0xaf: {  	[tilespmem:s0], [sflag:$0x2] =	stream.linear.gather [hbm4b:s22+s3], $0x2800, $0x38;
	[tilespmem:$0x1F880] =	vst v63  }
0xb0: {  	_ =	swait.ge [sflag:s5], $0x2800  }
0xb1: {  	[sflag:s5] =	ssyncset.done $0x0  }
0xb2: {  	s22 =	sadd.s32 $0x100, s19;
	[sflag:s5] =	ssyncadd.s32 $0xFFFFD800  }
0xb3: {  	[spmem:s1] =	stream.indirect.scatter.add.f32 [tilespmem:s2], [sflag:$0x5], $0x80, s22, s9, $0xb8;
	[tilespmem:$0x1F880] =	vst v63  }
0xb4: {  	_ =	swait.ge [sflag:s7], $0x2800  }
0xb5: {  	[sflag:s7] =	ssyncset.done $0x0  }
0xb6: {  	s22 =	sadd.s32 $0xFFFFFB00, s17;
	[sflag:s7] =	ssyncadd.s32 $0xFFFFD800  }
0xb7: {  	[tilespmem:s2], [sflag:$0x3] =	stream.linear.gather [hbm4b:s22+s3], $0x2800, $0x38;
	[tilespmem:$0x1F880] =	vst v63  }
0xb8: {  	_ =	swait.ge [sflag:s15], $0x2800  }
0xb9: {  	[sflag:s15] =	ssyncset.done $0x0  }
.Ltmp1:
0xba: {  	s19 =	sadd.s32 $0x180, s19;
	[sflag:s15] =	ssyncadd.s32 $0xFFFFD800;
	(pc) =	sbr.rel @p1 .LBB2_4-.Ltmp1, $4  }
0xbb: {  	[spmem:s1] =	stream.indirect.scatter.add.f32 [tilespmem:s6], [sflag:$0x5], $0x80, s19, s9, $0xb8;
	[tilespmem:$0x1F880] =	vst v63  }
0xbc: {  	_ =	swait.ge [sflag:s7], $0x2800  }
0xbd: {  	[sflag:s7] =	ssyncset.done $0x0  }
0xbe: {  	s17 =	sadd.s32 $0x1400, s17;
	[sflag:s7] =	ssyncadd.s32 $0xFFFFD800  }
0xbf: {  	[tilespmem:s6], [sflag:$0x4] =	stream.linear.gather [hbm4b:s23+s3], $0x2800, $0x38;
	[tilespmem:$0x1F880] =	vst v63  }
0xc0: {  	_ =	swait.ge [sflag:s8], $0x2800  }
0xc1: {  	[sflag:s8] =	ssyncset.done $0x0  }
0xc2: {  	s16 =	simm.s32 $0x1C00;
	[sflag:s8] =	ssyncadd.s32 $0xFFFFD800  }
0xc3: {  	[spmem:s1] =	stream.indirect.scatter.add.f32 [tilespmem:s31], [sflag:$0x5], $0x80, s16, s9, $0xb8;
	[tilespmem:$0x1F880] =	vst v63  }
0xc4: {  	_ =	swait.ge [sflag:s7], $0x2800  }
0xc5: {  	[sflag:s7] =	ssyncset.done $0x0  }
0xc6: {  	s22 =	rddreg [dreg:$0x13];
	[sflag:s7] =	ssyncadd.s32 $0xFFFFD800  }
0xc7: {  	[tilespmem:s31], [sflag:$0x1] =	stream.linear.gather [hbm4b:s22+s3], $0x2800, $0x38;
	[tilespmem:$0x1F880] =	vst v63  }
0xc8: {  	_ =	swait.ge [sflag:s13], $0x2800  }
0xc9: {  	[sflag:s13] =	ssyncset.done $0x0  }
0xca: {  	s23 =	simm.s32 $0x1C80;
	[sflag:s13] =	ssyncadd.s32 $0xFFFFD800  }
0xcb: {  	[spmem:s1] =	stream.indirect.scatter.add.f32 [tilespmem:s0], [sflag:$0x5], $0x80, s23, s9, $0xb8;
	[tilespmem:$0x1F880] =	vst v63  }
0xcc: {  	_ =	swait.ge [sflag:s7], $0x2800  }
0xcd: {  	[sflag:s7] =	ssyncset.done $0x0  }
0xce: {  	[sflag:s7] =	ssyncadd.s32 $0xFFFFD800  }
0xcf: {  	_ =	swait.ge [sflag:s5], $0x2800  }
0xd0: {  	[sflag:s5] =	ssyncset.done $0x0  }
0xd1: {  	s17 =	simm.s32 $0x1D00;
	[sflag:s5] =	ssyncadd.s32 $0xFFFFD800  }
0xd2: {  	[spmem:s1] =	stream.indirect.scatter.add.f32 [tilespmem:s2], [sflag:$0x5], $0x80, s17, s9, $0xb8;
	[tilespmem:$0x1F880] =	vst v63  }
0xd3: {  	_ =	swait.ge [sflag:s7], $0x2800  }
0xd4: {  	[sflag:s7] =	ssyncset.done $0x0  }
0xd5: {  	[sflag:s7] =	ssyncadd.s32 $0xFFFFD800  }
0xd6: {  	_ =	swait.ge [sflag:s15], $0x2800  }
0xd7: {  	[sflag:s15] =	ssyncset.done $0x0  }
0xd8: {  	s19 =	simm.s32 $0x1D80;
	[sflag:s15] =	ssyncadd.s32 $0xFFFFD800  }
0xd9: {  	[spmem:s1] =	stream.indirect.scatter.add.f32 [tilespmem:s6], [sflag:$0x5], $0x80, s19, s9, $0xb8;
	[tilespmem:$0x1F880] =	vst v63  }
0xda: {  	_ =	swait.ge [sflag:s7], $0x2800  }
0xdb: {  	[sflag:s7] =	ssyncset.done $0x0  }
0xdc: {  	[sflag:s7] =	ssyncadd.s32 $0xFFFFD800  }
0xdd: {  	_ =	swait.ge [sflag:s8], $0x2800  }
0xde: {  	[sflag:s8] =	ssyncset.done $0x0  }
0xdf: {  	s22 =	simm.s32 $0x1E00;
	[sflag:s8] =	ssyncadd.s32 $0xFFFFD800  }
0xe0: {  	[spmem:s1] =	stream.indirect.scatter.add.f32 [tilespmem:s31], [sflag:$0x5], $0x80, s22, s9, $0xb8;
	[tilespmem:$0x1F880] =	vst v63  }
0xe1: {  	_ =	swait.ge [sflag:s7], $0x2800  }
0xe2: {  	[sflag:s7] =	ssyncset.done $0x0  }
0xe3: {  	[sflag:s7] =	ssyncadd.s32 $0xFFFFD800  }
0xe4: {  	[bflag:$0x0] =	sbarrier.arrive $0xFFFF  }
0xe5: {  	s23 =	rddreg [dreg:$0xb]  }
0xe6: {  	[tilespmem:s31], [sflag:$0x1] =	stream.linear.gather [hbm4b:s23+s3], $0x2800, $0x38;
	[tilespmem:$0x1F880] =	vst v63  }
0xe7: {  	s17 =	rddreg [dreg:$0xc]  }
0xe8: {  	[tilespmem:s0], [sflag:$0x2] =	stream.linear.gather [hbm4b:s17+s3], $0x2800, $0x38;
	[tilespmem:$0x1F880] =	vst v63  }
0xe9: {  	s19 =	rddreg [dreg:$0xf]  }
0xea: {  	[tilespmem:s2], [sflag:$0x3] =	stream.linear.gather [hbm4b:s19+s3], $0x2800, $0x38;
	[tilespmem:$0x1F880] =	vst v63  }
0xeb: {  	s22 =	rddreg [dreg:$0x10]  }
0xec: {  	[tilespmem:s6], [sflag:$0x4] =	stream.linear.gather [hbm4b:s22+s3], $0x2800, $0x38;
	[tilespmem:$0x1F880] =	vst v63  }
0xed: {  	s23 =	rddreg [dreg:$0xd]  }
0xee: {  	[tilespmem:s3], [sflag:$0x5] =	stream.linear.gather [hbm4b:s23+s3], $0x2000, $0x38;
	[tilespmem:$0x1F880] =	vst v63  }
0xef: {  	_ =	swait.ge [sflag:s7], $0x2000  }
0xf0: {  	[sflag:s7] =	ssyncset.done $0x0  }
0xf1: {  	s17 =	sadd.s32 s4, s20;
	[sflag:s7] =	ssyncadd.s32 $0xFFFFE000  }
0xf2: {  	[hbm:s17], [sflag:s28] =	dma.local [spmem:s29], $0x2700  }
0xf3: {  	_ =	swait.ge [sflag:s7], $0x2700  }
0xf4: {  	[sflag:s7] =	ssyncset.done $0x0  }
0xf5: {  	s16 =	sshrl.u32 @p0 s10, $0x3;
	[sflag:s7] =	ssyncadd.s32 $0xFFFFD900  }
0xf6: {  	[spmem:s16], [sflag:s28] =	dma.local @p0 [hbm:s11], $0x2700  }
0xf7: {  	s16 =	simm.s32 @p0 $0x5  }
0xf8: {  	_ =	swait.ge @p0 [sflag:s16], $0x2700  }
0xf9: {  	[sflag:s16] =	ssyncset.done @p0 $0x0  }
0xfa: {  	[sflag:s16] =	ssyncadd.s32 @p0 $0xFFFFD900;
	s16 =	sadd.s32 @!p0 $0x27000, s20  }
0xfb: {  	[hbm:s16], [sflag:s28] =	dma.local @!p0 [spmem:s30], $0x100  }
0xfc: {  	s16 =	simm.s32 @!p0 $0x5  }
0xfd: {  	_ =	swait.ge @!p0 [sflag:s16], $0x100  }
0xfe: {  	[sflag:s16] =	ssyncset.done @!p0 $0x0  }
0xff: {  	s17 =	sshrl.u32 @!p0 s10, $0x3;
	[sflag:s16] =	ssyncadd.s32 @!p0 $0xFFFFFF00  }
0x100: {  	[spmem:s17], [sflag:s28] =	dma.local @!p0 [hbm:s11], $0x2700  }
0x101: {  	_ =	swait.ge @!p0 [sflag:s16], $0x2700  }
0x102: {  	[sflag:s16] =	ssyncset.done @!p0 $0x0  }
0x103: {  	[sflag:s16] =	ssyncadd.s32 @!p0 $0xFFFFD900  }
0x104: {  	[spmem:s30], [sflag:s28] =	dma.local @!p0 [hbm:s12], $0x100  }
0x105: {  	_ =	swait.ge @!p0 [sflag:s16], $0x100  }
0x106: {  	[sflag:s16] =	ssyncset.done @!p0 $0x0  }
0x107: {  	[sflag:s16] =	ssyncadd.s32 @!p0 $0xFFFFFF00  }
0x108: {  	[bflag:$0x0] =	sbarrier.arrive $0xFFFF  }
0x109: {  	_ =	swait.ge [sflag:s8], $0x2800  }
0x10a: {  	[sflag:s8] =	ssyncset.done $0x0  }
0x10b: {  	s19 =	simm.s32 $0x0;
	[sflag:s8] =	ssyncadd.s32 $0xFFFFD800  }
0x10c: {  	[spmem:s1] =	stream.indirect.scatter.add.f32 [tilespmem:s31], [sflag:$0x5], $0x80, s19, s9, $0xb8;
	[tilespmem:$0x1F880] =	vst v63  }
0x10d: {  	_ =	swait.ge [sflag:s7], $0x2800  }
0x10e: {  	[sflag:s7] =	ssyncset.done $0x0  }
0x10f: {  	s22 =	sadd.s32 $0xFFFFF100, s25;
	[sflag:s7] =	ssyncadd.s32 $0xFFFFD800  }
0x110: {  	[tilespmem:s31], [sflag:$0x1] =	stream.linear.gather [hbm4b:s22+s3], $0x2800, $0x38;
	[tilespmem:$0x1F880] =	vst v63  }
0x111: {  	_ =	swait.ge [sflag:s13], $0x2800  }
0x112: {  	[sflag:s13] =	ssyncset.done $0x0  }
0x113: {  	s23 =	simm.s32 $0x80;
	[sflag:s13] =	ssyncadd.s32 $0xFFFFD800  }
0x114: {  	[spmem:s1] =	stream.indirect.scatter.add.f32 [tilespmem:s0], [sflag:$0x5], $0x80, s23, s9, $0xb8;
	[tilespmem:$0x1F880] =	vst v63  }
0x115: {  	_ =	swait.ge [sflag:s7], $0x2800  }
0x116: {  	[sflag:s7] =	ssyncset.done $0x0  }
0x117: {  	s17 =	sadd.s32 $0xFFFFF600, s25;
	[sflag:s7] =	ssyncadd.s32 $0xFFFFD800  }
0x118: {  	[tilespmem:s0], [sflag:$0x2] =	stream.linear.gather [hbm4b:s17+s3], $0x2800, $0x38;
	[tilespmem:$0x1F880] =	vst v63  }
0x119: {  	_ =	swait.ge [sflag:s5], $0x2800  }
0x11a: {  	[sflag:s5] =	ssyncset.done $0x0  }
0x11b: {  	s19 =	simm.s32 $0x100;
	[sflag:s5] =	ssyncadd.s32 $0xFFFFD800  }
0x11c: {  	[spmem:s1] =	stream.indirect.scatter.add.f32 [tilespmem:s2], [sflag:$0x5], $0x80, s19, s9, $0xb8;
	[tilespmem:$0x1F880] =	vst v63  }
0x11d: {  	_ =	swait.ge [sflag:s7], $0x2800  }
0x11e: {  	[sflag:s7] =	ssyncset.done $0x0  }
0x11f: {  	s22 =	sadd.s32 $0xFFFFFB00, s25;
	[sflag:s7] =	ssyncadd.s32 $0xFFFFD800  }
0x120: {  	[tilespmem:s2], [sflag:$0x3] =	stream.linear.gather [hbm4b:s22+s3], $0x2800, $0x38;
	[tilespmem:$0x1F880] =	vst v63  }
0x121: {  	_ =	swait.ge [sflag:s15], $0x2800  }
0x122: {  	[sflag:s15] =	ssyncset.done $0x0  }
0x123: {  	s23 =	simm.s32 $0x180;
	[sflag:s15] =	ssyncadd.s32 $0xFFFFD800  }
0x124: {  	[spmem:s1] =	stream.indirect.scatter.add.f32 [tilespmem:s6], [sflag:$0x5], $0x80, s23, s9, $0xb8;
	[tilespmem:$0x1F880] =	vst v63  }
0x125: {  	_ =	swait.ge [sflag:s7], $0x2800  }
0x126: {  	s16 =	simm.s32 $0x800;
	[sflag:s7] =	ssyncset.done $0x0  }
0x127: {  	s17 =	sadd.s32 $0x1400, s25;
	s23 =	smov.u32 s25;
	[sflag:s7] =	ssyncadd.s32 $0xFFFFD800  }
.LBB2_6:
0x128: {  	[tilespmem:s6], [sflag:$0x4] =	stream.linear.gather [hbm4b:s23+s3], $0x2800, $0x38;
	[tilespmem:$0x1F880] =	vst v63  }
0x129: {  	s19 =	smov.u32 s16;
	s23 =	smov.u32 s17  }
0x12a: {  	p1 =	sne.s32 s16, $0x7800;
	s16 =	sadd.s32 $0x800, s16;
	_ =	swait.ge [sflag:s8], $0x2800  }
0x12b: {  	[sflag:s8] =	ssyncset.done $0x0  }
0x12c: {  	s19 =	sshra.s32 s19, $0x2;
	[sflag:s8] =	ssyncadd.s32 $0xFFFFD800  }
0x12d: {  	[spmem:s1] =	stream.indirect.scatter.add.f32 [tilespmem:s31], [sflag:$0x5], $0x80, s19, s9, $0xb8;
	[tilespmem:$0x1F880] =	vst v63  }
0x12e: {  	_ =	swait.ge [sflag:s7], $0x2800  }
0x12f: {  	[sflag:s7] =	ssyncset.done $0x0  }
0x130: {  	s22 =	sadd.s32 $0xFFFFF100, s17;
	[sflag:s7] =	ssyncadd.s32 $0xFFFFD800  }
0x131: {  	[tilespmem:s31], [sflag:$0x1] =	stream.linear.gather [hbm4b:s22+s3], $0x2800, $0x38;
	[tilespmem:$0x1F880] =	vst v63  }
0x132: {  	_ =	swait.ge [sflag:s13], $0x2800  }
0x133: {  	[sflag:s13] =	ssyncset.done $0x0  }
0x134: {  	s22 =	sadd.s32 $0x80, s19;
	[sflag:s13] =	ssyncadd.s32 $0xFFFFD800  }
0x135: {  	[spmem:s1] =	stream.indirect.scatter.add.f32 [tilespmem:s0], [sflag:$0x5], $0x80, s22, s9, $0xb8;
	[tilespmem:$0x1F880] =	vst v63  }
0x136: {  	_ =	swait.ge [sflag:s7], $0x2800  }
0x137: {  	[sflag:s7] =	ssyncset.done $0x0  }
0x138: {  	s22 =	sadd.s32 $0xFFFFF600, s17;
	[sflag:s7] =	ssyncadd.s32 $0xFFFFD800  }
0x139: {  	[tilespmem:s0], [sflag:$0x2] =	stream.linear.gather [hbm4b:s22+s3], $0x2800, $0x38;
	[tilespmem:$0x1F880] =	vst v63  }
0x13a: {  	_ =	swait.ge [sflag:s5], $0x2800  }
0x13b: {  	[sflag:s5] =	ssyncset.done $0x0  }
0x13c: {  	s22 =	sadd.s32 $0x100, s19;
	[sflag:s5] =	ssyncadd.s32 $0xFFFFD800  }
0x13d: {  	[spmem:s1] =	stream.indirect.scatter.add.f32 [tilespmem:s2], [sflag:$0x5], $0x80, s22, s9, $0xb8;
	[tilespmem:$0x1F880] =	vst v63  }
0x13e: {  	_ =	swait.ge [sflag:s7], $0x2800  }
0x13f: {  	[sflag:s7] =	ssyncset.done $0x0  }
0x140: {  	s22 =	sadd.s32 $0xFFFFFB00, s17;
	[sflag:s7] =	ssyncadd.s32 $0xFFFFD800  }
0x141: {  	[tilespmem:s2], [sflag:$0x3] =	stream.linear.gather [hbm4b:s22+s3], $0x2800, $0x38;
	[tilespmem:$0x1F880] =	vst v63  }
0x142: {  	_ =	swait.ge [sflag:s15], $0x2800  }
0x143: {  	[sflag:s15] =	ssyncset.done $0x0  }
.Ltmp2:
0x144: {  	s19 =	sadd.s32 $0x180, s19;
	[sflag:s15] =	ssyncadd.s32 $0xFFFFD800;
	(pc) =	sbr.rel @p1 .LBB2_6-.Ltmp2, $4  }
0x145: {  	[spmem:s1] =	stream.indirect.scatter.add.f32 [tilespmem:s6], [sflag:$0x5], $0x80, s19, s9, $0xb8;
	[tilespmem:$0x1F880] =	vst v63  }
0x146: {  	_ =	swait.ge [sflag:s7], $0x2800  }
0x147: {  	[sflag:s7] =	ssyncset.done $0x0  }
0x148: {  	s17 =	sadd.s32 $0x1400, s17;
	[sflag:s7] =	ssyncadd.s32 $0xFFFFD800  }
0x149: {  	[tilespmem:s6], [sflag:$0x4] =	stream.linear.gather [hbm4b:s23+s3], $0x2800, $0x38;
	[tilespmem:$0x1F880] =	vst v63  }
0x14a: {  	s16 =	simm.s32 $0x0;
	s17 =	rddreg [dreg:$0xe]  }
0x14b: {  	[tilespmem:s16], [sflag:$0x5] =	stream.linear.gather [hbm4b:s17+s16], $0x1E80, $0x38;
	[tilespmem:$0x1F880] =	vst v63  }
0x14c: {  	_ =	swait.ge [sflag:s7], $0x1E80  }
0x14d: {  	[sflag:s7] =	ssyncset.done $0x0  }
0x14e: {  	[sflag:s7] =	ssyncadd.s32 $0xFFFFE180  }
0x14f: {  	_ =	swait.ge [sflag:s8], $0x2800  }
0x150: {  	[sflag:s8] =	ssyncset.done $0x0  }
0x151: {  	s19 =	simm.s32 $0x0;
	[sflag:s8] =	ssyncadd.s32 $0xFFFFD800  }
0x152: {  	[spmem:s1] =	stream.indirect.scatter.add.f32 [tilespmem:s31], [sflag:$0x5], $0x80, s19, s9, $0xb8;
	[tilespmem:$0x1F880] =	vst v63  }
0x153: {  	_ =	swait.ge [sflag:s7], $0x2800  }
0x154: {  	[sflag:s7] =	ssyncset.done $0x0  }
0x155: {  	s22 =	sadd.s32 $0xFFFFF100, s26;
	[sflag:s7] =	ssyncadd.s32 $0xFFFFD800  }
0x156: {  	[tilespmem:s31], [sflag:$0x1] =	stream.linear.gather [hbm4b:s22+s3], $0x2800, $0x38;
	[tilespmem:$0x1F880] =	vst v63  }
0x157: {  	_ =	swait.ge [sflag:s13], $0x2800  }
0x158: {  	[sflag:s13] =	ssyncset.done $0x0  }
0x159: {  	s23 =	simm.s32 $0x80;
	[sflag:s13] =	ssyncadd.s32 $0xFFFFD800  }
0x15a: {  	[spmem:s1] =	stream.indirect.scatter.add.f32 [tilespmem:s0], [sflag:$0x5], $0x80, s23, s9, $0xb8;
	[tilespmem:$0x1F880] =	vst v63  }
0x15b: {  	_ =	swait.ge [sflag:s7], $0x2800  }
0x15c: {  	[sflag:s7] =	ssyncset.done $0x0  }
0x15d: {  	s17 =	sadd.s32 $0xFFFFF600, s26;
	[sflag:s7] =	ssyncadd.s32 $0xFFFFD800  }
0x15e: {  	[tilespmem:s0], [sflag:$0x2] =	stream.linear.gather [hbm4b:s17+s3], $0x2800, $0x38;
	[tilespmem:$0x1F880] =	vst v63  }
0x15f: {  	_ =	swait.ge [sflag:s5], $0x2800  }
0x160: {  	[sflag:s5] =	ssyncset.done $0x0  }
0x161: {  	s19 =	simm.s32 $0x100;
	[sflag:s5] =	ssyncadd.s32 $0xFFFFD800  }
0x162: {  	[spmem:s1] =	stream.indirect.scatter.add.f32 [tilespmem:s2], [sflag:$0x5], $0x80, s19, s9, $0xb8;
	[tilespmem:$0x1F880] =	vst v63  }
0x163: {  	_ =	swait.ge [sflag:s7], $0x2800  }
0x164: {  	[sflag:s7] =	ssyncset.done $0x0  }
0x165: {  	s22 =	sadd.s32 $0xFFFFFB00, s26;
	[sflag:s7] =	ssyncadd.s32 $0xFFFFD800  }
0x166: {  	[tilespmem:s2], [sflag:$0x3] =	stream.linear.gather [hbm4b:s22+s3], $0x2800, $0x38;
	[tilespmem:$0x1F880] =	vst v63  }
0x167: {  	_ =	swait.ge [sflag:s15], $0x2800  }
0x168: {  	[sflag:s15] =	ssyncset.done $0x0  }
0x169: {  	s23 =	simm.s32 $0x180;
	[sflag:s15] =	ssyncadd.s32 $0xFFFFD800  }
0x16a: {  	[spmem:s1] =	stream.indirect.scatter.add.f32 [tilespmem:s6], [sflag:$0x5], $0x80, s23, s9, $0xb8;
	[tilespmem:$0x1F880] =	vst v63  }
0x16b: {  	_ =	swait.ge [sflag:s7], $0x2800  }
0x16c: {  	s16 =	simm.s32 $0x800;
	[sflag:s7] =	ssyncset.done $0x0  }
0x16d: {  	s17 =	sadd.s32 $0x1400, s26;
	s23 =	smov.u32 s26;
	[sflag:s7] =	ssyncadd.s32 $0xFFFFD800  }
.LBB2_8:
0x16e: {  	[tilespmem:s6], [sflag:$0x4] =	stream.linear.gather [hbm4b:s23+s3], $0x2800, $0x38;
	[tilespmem:$0x1F880] =	vst v63  }
0x16f: {  	s19 =	smov.u32 s16;
	s23 =	smov.u32 s17  }
0x170: {  	p1 =	sne.s32 s16, $0x6800;
	s16 =	sadd.s32 $0x800, s16;
	_ =	swait.ge [sflag:s8], $0x2800  }
0x171: {  	[sflag:s8] =	ssyncset.done $0x0  }
0x172: {  	s19 =	sshra.s32 s19, $0x2;
	[sflag:s8] =	ssyncadd.s32 $0xFFFFD800  }
0x173: {  	[spmem:s1] =	stream.indirect.scatter.add.f32 [tilespmem:s31], [sflag:$0x5], $0x80, s19, s9, $0xb8;
	[tilespmem:$0x1F880] =	vst v63  }
0x174: {  	_ =	swait.ge [sflag:s7], $0x2800  }
0x175: {  	[sflag:s7] =	ssyncset.done $0x0  }
0x176: {  	s22 =	sadd.s32 $0xFFFFF100, s17;
	[sflag:s7] =	ssyncadd.s32 $0xFFFFD800  }
0x177: {  	[tilespmem:s31], [sflag:$0x1] =	stream.linear.gather [hbm4b:s22+s3], $0x2800, $0x38;
	[tilespmem:$0x1F880] =	vst v63  }
0x178: {  	_ =	swait.ge [sflag:s13], $0x2800  }
0x179: {  	[sflag:s13] =	ssyncset.done $0x0  }
0x17a: {  	s22 =	sadd.s32 $0x80, s19;
	[sflag:s13] =	ssyncadd.s32 $0xFFFFD800  }
0x17b: {  	[spmem:s1] =	stream.indirect.scatter.add.f32 [tilespmem:s0], [sflag:$0x5], $0x80, s22, s9, $0xb8;
	[tilespmem:$0x1F880] =	vst v63  }
0x17c: {  	_ =	swait.ge [sflag:s7], $0x2800  }
0x17d: {  	[sflag:s7] =	ssyncset.done $0x0  }
0x17e: {  	s22 =	sadd.s32 $0xFFFFF600, s17;
	[sflag:s7] =	ssyncadd.s32 $0xFFFFD800  }
0x17f: {  	[tilespmem:s0], [sflag:$0x2] =	stream.linear.gather [hbm4b:s22+s3], $0x2800, $0x38;
	[tilespmem:$0x1F880] =	vst v63  }
0x180: {  	_ =	swait.ge [sflag:s5], $0x2800  }
0x181: {  	[sflag:s5] =	ssyncset.done $0x0  }
0x182: {  	s22 =	sadd.s32 $0x100, s19;
	[sflag:s5] =	ssyncadd.s32 $0xFFFFD800  }
0x183: {  	[spmem:s1] =	stream.indirect.scatter.add.f32 [tilespmem:s2], [sflag:$0x5], $0x80, s22, s9, $0xb8;
	[tilespmem:$0x1F880] =	vst v63  }
0x184: {  	_ =	swait.ge [sflag:s7], $0x2800  }
0x185: {  	[sflag:s7] =	ssyncset.done $0x0  }
0x186: {  	s22 =	sadd.s32 $0xFFFFFB00, s17;
	[sflag:s7] =	ssyncadd.s32 $0xFFFFD800  }
0x187: {  	[tilespmem:s2], [sflag:$0x3] =	stream.linear.gather [hbm4b:s22+s3], $0x2800, $0x38;
	[tilespmem:$0x1F880] =	vst v63  }
0x188: {  	_ =	swait.ge [sflag:s15], $0x2800  }
0x189: {  	[sflag:s15] =	ssyncset.done $0x0  }
.Ltmp3:
0x18a: {  	s19 =	sadd.s32 $0x180, s19;
	[sflag:s15] =	ssyncadd.s32 $0xFFFFD800;
	(pc) =	sbr.rel @p1 .LBB2_8-.Ltmp3, $4  }
0x18b: {  	[spmem:s1] =	stream.indirect.scatter.add.f32 [tilespmem:s6], [sflag:$0x5], $0x80, s19, s9, $0xb8;
	[tilespmem:$0x1F880] =	vst v63  }
0x18c: {  	_ =	swait.ge [sflag:s7], $0x2800  }
0x18d: {  	[sflag:s7] =	ssyncset.done $0x0  }
0x18e: {  	s17 =	sadd.s32 $0x1400, s17;
	[sflag:s7] =	ssyncadd.s32 $0xFFFFD800  }
0x18f: {  	[tilespmem:s6], [sflag:$0x4] =	stream.linear.gather [hbm4b:s23+s3], $0x2800, $0x38;
	[tilespmem:$0x1F880] =	vst v63  }
0x190: {  	_ =	swait.ge [sflag:s8], $0x2800  }
0x191: {  	[sflag:s8] =	ssyncset.done $0x0  }
0x192: {  	s16 =	simm.s32 $0x1C00;
	[sflag:s8] =	ssyncadd.s32 $0xFFFFD800  }
0x193: {  	[spmem:s1] =	stream.indirect.scatter.add.f32 [tilespmem:s31], [sflag:$0x5], $0x80, s16, s9, $0xb8;
	[tilespmem:$0x1F880] =	vst v63  }
0x194: {  	_ =	swait.ge [sflag:s7], $0x2800  }
0x195: {  	[sflag:s7] =	ssyncset.done $0x0  }
0x196: {  	s22 =	rddreg [dreg:$0x14];
	[sflag:s7] =	ssyncadd.s32 $0xFFFFD800  }
0x197: {  	[tilespmem:s31], [sflag:$0x1] =	stream.linear.gather [hbm4b:s22+s3], $0x2800, $0x38;
	[tilespmem:$0x1F880] =	vst v63  }
0x198: {  	_ =	swait.ge [sflag:s13], $0x2800  }
0x199: {  	[sflag:s13] =	ssyncset.done $0x0  }
0x19a: {  	s23 =	simm.s32 $0x1C80;
	[sflag:s13] =	ssyncadd.s32 $0xFFFFD800  }
0x19b: {  	[spmem:s1] =	stream.indirect.scatter.add.f32 [tilespmem:s0], [sflag:$0x5], $0x80, s23, s9, $0xb8;
	[tilespmem:$0x1F880] =	vst v63  }
0x19c: {  	_ =	swait.ge [sflag:s7], $0x2800  }
0x19d: {  	[sflag:s7] =	ssyncset.done $0x0  }
0x19e: {  	[sflag:s7] =	ssyncadd.s32 $0xFFFFD800  }
0x19f: {  	_ =	swait.ge [sflag:s5], $0x2800  }
0x1a0: {  	[sflag:s5] =	ssyncset.done $0x0  }
0x1a1: {  	s17 =	simm.s32 $0x1D00;
	[sflag:s5] =	ssyncadd.s32 $0xFFFFD800  }
0x1a2: {  	[spmem:s1] =	stream.indirect.scatter.add.f32 [tilespmem:s2], [sflag:$0x5], $0x80, s17, s9, $0xb8;
	[tilespmem:$0x1F880] =	vst v63  }
0x1a3: {  	_ =	swait.ge [sflag:s7], $0x2800  }
0x1a4: {  	[sflag:s7] =	ssyncset.done $0x0  }
0x1a5: {  	[sflag:s7] =	ssyncadd.s32 $0xFFFFD800  }
0x1a6: {  	_ =	swait.ge [sflag:s15], $0x2800  }
0x1a7: {  	[sflag:s15] =	ssyncset.done $0x0  }
0x1a8: {  	s19 =	simm.s32 $0x1D80;
	[sflag:s15] =	ssyncadd.s32 $0xFFFFD800  }
0x1a9: {  	[spmem:s1] =	stream.indirect.scatter.add.f32 [tilespmem:s6], [sflag:$0x5], $0x80, s19, s9, $0xb8;
	[tilespmem:$0x1F880] =	vst v63  }
0x1aa: {  	_ =	swait.ge [sflag:s7], $0x2800  }
0x1ab: {  	[sflag:s7] =	ssyncset.done $0x0  }
0x1ac: {  	[sflag:s7] =	ssyncadd.s32 $0xFFFFD800  }
0x1ad: {  	_ =	swait.ge [sflag:s8], $0x2800  }
0x1ae: {  	[sflag:s8] =	ssyncset.done $0x0  }
0x1af: {  	s22 =	simm.s32 $0x1E00;
	[sflag:s8] =	ssyncadd.s32 $0xFFFFD800  }
0x1b0: {  	[spmem:s1] =	stream.indirect.scatter.add.f32 [tilespmem:s31], [sflag:$0x5], $0x80, s22, s9, $0xb8;
	[tilespmem:$0x1F880] =	vst v63  }
0x1b1: {  	_ =	swait.ge [sflag:s7], $0x2800  }
0x1b2: {  	[sflag:s7] =	ssyncset.done $0x0  }
0x1b3: {  	[sflag:s7] =	ssyncadd.s32 $0xFFFFD800  }
0x1b4: {  	s23 =	sadd.s32 s4, s21;
	[bflag:$0x0] =	sbarrier.arrive $0xFFFF  }
0x1b5: {  	[hbm:s23], [sflag:s28] =	dma.local [spmem:s29], $0x2700  }
0x1b6: {  	_ =	swait.ge [sflag:s7], $0x2700  }
0x1b7: {  	[sflag:s7] =	ssyncset.done $0x0  }
0x1b8: {  	s16 =	sadd.s32 @!p0 $0x27000, s21;
	[sflag:s7] =	ssyncadd.s32 $0xFFFFD900  }
0x1b9: {  	[hbm:s16], [sflag:s28] =	dma.local @!p0 [spmem:s30], $0x100  }
0x1ba: {  	s16 =	simm.s32 @!p0 $0x5  }
0x1bb: {  	_ =	swait.ge @!p0 [sflag:s16], $0x100  }
0x1bc: {  	s14 =	sadd.s32 $0x1, s14;
	s17 =	rddreg [dreg:$0x11]  }
0x1bd: {  	p1 =	sne.s32 s14, s17  }
.Ltmp4:
0x1be: {  	_ = 	snop;
	(pc) =	sbr.rel @p1 .LBB2_1-.Ltmp4, $3  }
0x1bf: {  	_ =	sdelay $0x1  }
0x1c0: {  	[sflag:s16] =	ssyncset.done @!p0 $0x0  }
0x1c1: {  	[sflag:s16] =	ssyncadd.s32 @!p0 $0xFFFFFF00  }
0x1c2: {  	_ =	sfence.sel $0x180000  }
0x1c3: {  	[bflag:$0x0] =	sbarrier.arrive $0xFFFF  }
0x1c4: {  	_ =	strace $0x90000047  }
0x1c5: {  	s0 =	stileid.u32;
	[bflag:$0x2] =	sbarrier.arrive $0xFFFF  }
0x1c6: {  	p0 =	sne.s32 s0, $0x0;
	s0 =	rddreg [dreg:$0x4]  }
0x1c7: {  	s0 =	sadd.s32 @!p0 $0x100000, s0  }
0x1c8: {  	[sflag:s0] =	ssyncadd.tile.s32 @!p0 $0x1;
	_ =	shalt  }
.Lfunc_end2:
_tile_overlayer_lowered:
.L_overlay_start_2:
0x1c9: {  	(tag) =	ssettag $0x2  }
0x1ca: {  	s0 =	rddreg [dreg:$0x0];
	s2 =	stileid.u32  }
0x1cb: {  	s1 =	rddreg [dreg:$0x1];
	p0 =	sne.s32 s2, $0x0  }
0x1cc: {  	s3 =	rddreg [dreg:$0x2];
	[bflag:$0x3] =	sbarrier.arrive $0xFFFF;
	s2 =	simm.s32 @!p0 $0x1C05  }
0x1cd: {  	[timem:s3], [sflag:s2] =	dma.local @!p0 [hbm:s0], s1  }
0x1ce: {  	s0 =	simm.s32 @!p0 $0x5  }
0x1cf: {  	_ =	swait.ge @!p0 [sflag:s0], s1  }
0x1d0: {  	s1 =	ssub.s32 @!p0 $0x0, s1;
	[sflag:s0] =	ssyncset.done @!p0 $0x0  }
0x1d1: {  	[sflag:s0] =	ssyncadd.s32 @!p0 s1  }
0x1d2: {  	[bflag:$0x3] =	sbarrier.arrive $0xFFFF  }
0x1d3: {  	_ =	shalt  }

</sc_bundles>
